<compile_context>
chip_gen: v7x
topology: tpu7x:2x2x1
jax: 0.10.2.dev20260603
libtpu: 0.0.44.dev20260713+nightly
codegen_flags: <defaults>
</compile_context>

<pallas_src>
import functools

import jax
import jax.numpy as jnp
from jax import lax
from jax.experimental import pallas as pl
from jax.experimental.pallas import tpu as pltpu
from jax.experimental.pallas import tpu_sc as plsc

E = 16
D = 1024
H = 4096
O = 1024
N = 8192
T = 576
NTILES = (N + T - 1) // T + E - 1
P = NTILES * T

NW = 32


def _sc_scatter_rows(table, idx3):
    n_words = table.shape[1]
    k, chunk = idx3.shape[1], idx3.shape[2]
    per_w = k * chunk
    mesh = plsc.VectorSubcoreMesh(core_axis_name="c", subcore_axis_name="s")

    def body(table_hbm, idx_hbm, out_hbm, idx_v, rows_v, sem):
        wid = lax.axis_index("s") * 2 + lax.axis_index("c")
        base = wid * per_w
        pltpu.sync_copy(idx_hbm.at[wid], idx_v)

        def one_chunk(j, carry):
            pltpu.sync_copy(table_hbm.at[pl.ds(base + j * chunk, chunk)], rows_v)
            pltpu.async_copy(rows_v, out_hbm.at[idx_v.at[j]], sem).wait()
            return carry

        lax.fori_loop(0, k, one_chunk, 0)

    return pl.kernel(
        body,
        mesh=mesh,
        out_type=jax.ShapeDtypeStruct((P, n_words), jnp.float32),
        scratch_types=[
            pltpu.VMEM((k, chunk), jnp.int32),
            pltpu.VMEM((chunk, n_words), jnp.float32),
            pltpu.SemaphoreType.DMA,
        ],
    )(table, idx3)


def _sc_gather_rows(table, idx, chunk):
    n_rows = idx.shape[0]
    n_words = table.shape[1]
    per_w = n_rows // NW
    n_chunks = per_w // chunk
    mesh = plsc.VectorSubcoreMesh(core_axis_name="c", subcore_axis_name="s")

    def body(table_hbm, idx_hbm, out_hbm, idx_v, rows_v, sem):
        wid = lax.axis_index("s") * 2 + lax.axis_index("c")
        base = wid * per_w

        def one_chunk(i, carry):
            off = base + i * chunk
            pltpu.sync_copy(idx_hbm.at[pl.ds(off, chunk)], idx_v)
            pltpu.async_copy(table_hbm.at[idx_v], rows_v, sem).wait()
            pltpu.sync_copy(rows_v, out_hbm.at[pl.ds(off, chunk)])
            return carry

        lax.fori_loop(0, n_chunks, one_chunk, 0)

    return pl.kernel(
        body,
        mesh=mesh,
        out_type=jax.ShapeDtypeStruct((n_rows, n_words), jnp.float32),
        scratch_types=[
            pltpu.VMEM((chunk,), jnp.int32),
            pltpu.VMEM((chunk, n_words), jnp.float32),
            pltpu.SemaphoreType.DMA,
        ],
    )(table, idx)


NC = 2
HCC = H // NC


def _fused_body(em_ref, nt_ref, x_ref, w1_ref, w2_ref, out_ref):
    t = pl.program_id(0)
    c = pl.program_id(1)

    @pl.when(t < nt_ref[0])
    def _():
        h = lax.dot_general(
            x_ref[...], w1_ref[0],
            (((1,), (1,)), ((), ())),
            preferred_element_type=jnp.float32,
        )
        part = lax.dot_general(
            h, w2_ref[0],
            (((1,), (1,)), ((), ())),
            preferred_element_type=jnp.float32,
        )

        @pl.when(c == 0)
        def _():
            out_ref[...] = part

        @pl.when(c > 0)
        def _():
            out_ref[...] += part


def _c_eff(t, c, nt):
    zig = jnp.where(t % 2 == 0, c, NC - 1 - c)
    frozen = jnp.where((nt - 1) % 2 == 0, NC - 1, 0)
    return jnp.where(t < nt, zig, frozen)


def _moe_fused(x_pad, w1, w2, expert_map, n_tiles):
    grid_spec = pltpu.PrefetchScalarGridSpec(
        num_scalar_prefetch=2,
        grid=(NTILES, NC),
        in_specs=[
            pl.BlockSpec(
                (T, D), lambda t, c, em, nt: (jnp.minimum(t, nt[0] - 1), 0)),
            pl.BlockSpec(
                (1, HCC, D),
                lambda t, c, em, nt: (em[t], _c_eff(t, c, nt[0]), 0)),
            pl.BlockSpec(
                (1, O, HCC),
                lambda t, c, em, nt: (em[t], 0, _c_eff(t, c, nt[0]))),
        ],
        out_specs=pl.BlockSpec((T, O), lambda t, c, em, nt: (t, 0)),
    )
    return pl.pallas_call(
        _fused_body,
        grid_spec=grid_spec,
        out_shape=jax.ShapeDtypeStruct((P, O), jnp.float32),
        compiler_params=pltpu.CompilerParams(
            vmem_limit_bytes=56 * 1024 * 1024),
    )(expert_map, n_tiles, x_pad, w1, w2)


def kernel(inp, gate, weight1, weight2):
    gate = gate.astype(jnp.int32)

    onehot = (gate[:, None] == jnp.arange(E, dtype=jnp.int32)[None, :])
    onehot_i = onehot.astype(jnp.int32)
    incl = jnp.cumsum(onehot_i, axis=0)
    counts = incl[-1]
    rank = jnp.sum(jnp.where(onehot, incl, 0), axis=1) - 1
    tiles_per_e = (counts + T - 1) // T
    tile_start = jnp.concatenate([jnp.zeros((1,), jnp.int32),
                                  jnp.cumsum(tiles_per_e)[:-1]]).astype(jnp.int32)
    n_tiles = tile_start[-1] + tiles_per_e[-1]
    pad_off = tile_start * T
    pad_pos = jnp.sum(jnp.where(onehot, pad_off[None, :], 0), axis=1) + rank
    pad_pos = pad_pos.astype(jnp.int32)
    t_ids = jnp.arange(NTILES, dtype=jnp.int32)
    expert_map = jnp.clip(
        jnp.sum((t_ids[:, None] >= tile_start[None, :]).astype(jnp.int32),
                axis=1) - 1, 0, E - 1).astype(jnp.int32)
    expert_map = expert_map[jnp.minimum(t_ids, n_tiles - 1)]

    idx3 = pad_pos.reshape(NW, 4, N // NW // 4)
    x_pad = _sc_scatter_rows(inp, idx3)

    nt = n_tiles.reshape(1)
    out_pad = _moe_fused(x_pad, weight1, weight2, expert_map, nt)

    return _sc_gather_rows(out_pad, pad_pos, 64)

# --- scband reference (transcript-rebuilt; emitter-appended) ---
"""Pipeline reference for scband-moelayer-86715389706430 (READ-ONLY COPY).

The authoritative reference and input builder live on the scoring server;
editing this copy changes nothing except your own understanding.
"""

import jax, jax.numpy as jnp
import numpy as np

NUM_EXPERT = 16
IN_FEAT = 1024
HIDDEN_FEAT = 4096
OUT_FEAT = 1024
N_TOKENS = 8192


def moe_forward(inp, gate, weight1, weight2):
    # Faithful to moe_cuda.forward: per-token top-1 expert, two linear layers
    # (no bias, no activation):  out_i = W2[g_i] @ (W1[g_i] @ x_i)
    E = weight1.shape[0]
    init = jnp.zeros((inp.shape[0], weight2.shape[1]), dtype=inp.dtype)

    def body(acc, xs):
        w1_e, w2_e, e = xs
        mask = (gate == e).astype(inp.dtype)[:, None]
        h = (inp * mask) @ w1_e.T          # [N, hidden]
        o = h @ w2_e.T                     # [N, out]
        return acc + o, None

    out, _ = jax.lax.scan(body, init, (weight1, weight2, jnp.arange(E)))
    return out


def setup_inputs(seed: int = 0) -> dict:
    key = jax.random.key(seed)
    k1, k2, k3, k4 = jax.random.split(key, 4)
    inp = jax.random.normal(k1, (N_TOKENS, IN_FEAT), dtype=jnp.float32)
    gate = jax.random.randint(k2, (N_TOKENS,), 0, NUM_EXPERT, dtype=jnp.int32)
    # nn.Linear default init: U(-1/sqrt(fan_in), 1/sqrt(fan_in))
    b1 = 1.0 / float(np.sqrt(IN_FEAT))
    b2 = 1.0 / float(np.sqrt(HIDDEN_FEAT))
    weight1 = jax.random.uniform(k3, (NUM_EXPERT, HIDDEN_FEAT, IN_FEAT), dtype=jnp.float32, minval=-b1, maxval=b1)
    weight2 = jax.random.uniform(k4, (NUM_EXPERT, OUT_FEAT, HIDDEN_FEAT), dtype=jnp.float32, minval=-b2, maxval=b2)
    return {"inp": inp, "gate": gate, "weight1": weight1, "weight2": weight2}


def reference(inp, gate, weight1, weight2):
    return moe_forward(inp, gate, weight1, weight2)

if __name__ == "__main__":
    import jax
    _d = setup_inputs()
    print(jax.jit(kernel)(*tuple(_d.values())))

</pallas_src>

<mosaic_0001>
#map = affine_map<(d0, d1) -> (0, 0)>
#map1 = affine_map<(d0, d1) -> (0)>
module attributes {stable_mosaic.version = 14 : i64} {
  func.func @body(%arg0: i32, %arg1: i32, %arg2: memref<17280x1024xf32, #tpu.memory_space<hbm>>, %arg3: memref<8192xi32, #tpu.memory_space<hbm>>, %arg4: memref<8192x1024xf32, #tpu.memory_space<hbm>>, %arg5: memref<64xi32, #tpu.memory_space<vmem>>, %arg6: memref<64x1024xf32, #tpu.memory_space<vmem>>, %arg7: memref<!tpu.dma_semaphore, #tpu.memory_space<semaphore_mem>>) attributes {dimension_semantics = [#tpu.dimension_semantics<core_parallel>, #tpu.dimension_semantics<subcore_parallel>], iteration_bounds = array<i64: 2, 16>, scalar_prefetch = 0 : i64, scratch_operands = 3 : i64, tpu.core_type = #tpu.core_type<sc_vector_subcore>, window_params = [{transform_indices = #map}, {transform_indices = #map1}, {transform_indices = #map}]} {
    %mul3A = arith.constant 2 : i32
    %mul3A_0 = arith.muli %arg1, %mul3A : i32
    %add3A = arith.addi %mul3A_0, %arg0 : i32
    %mul3A_1 = arith.constant 256 : i32
    %mul3A_2 = arith.muli %add3A, %mul3A_1 : i32
    %scan3A = arith.constant 0 : i32
    %scan3A_3 = arith.constant 0 : i32
    %scan3A_4 = arith.constant 4 : i32
    %scan3A_5 = arith.addi %scan3A_3, %scan3A_4 : i32
    %scan3A_6 = arith.constant 1 : i32
    scf.for %scan3A_8 = %scan3A_3 to %scan3A_5 step %scan3A_6  : i32 {
      %mul3A_9 = arith.constant 64 : i32
      %mul3A_10 = arith.muli %scan3A_8, %mul3A_9 : i32
      %add3A_11 = arith.addi %mul3A_2, %mul3A_10 : i32
      "tpu.region"() ({
        %run_scoped3A = tpu.sem_alloc : memref<!tpu.dma_semaphore, #tpu.memory_space<semaphore_mem>>
        %dma_start3A_16 = tpu.memref_slice %arg3[%add3A_11] : memref<8192xi32, #tpu.memory_space<hbm>> -> memref<64xi32, #tpu.memory_space<hbm>>
        %dma_start3A_17 = tpu.memref_slice %arg3[%add3A_11] : memref<8192xi32, #tpu.memory_space<hbm>> -> memref<64xi32, #tpu.memory_space<hbm>>
        tpu.enqueue_dma source(%dma_start3A_17 : memref<64xi32, #tpu.memory_space<hbm>>) target(%arg5 : memref<64xi32, #tpu.memory_space<vmem>>) target_semaphore(%run_scoped3A : memref<!tpu.dma_semaphore, #tpu.memory_space<semaphore_mem>>)
        %dma_wait3A_18 = tpu.memref_slice %arg3[%add3A_11] : memref<8192xi32, #tpu.memory_space<hbm>> -> memref<64xi32, #tpu.memory_space<hbm>>
        %dma_wait3A_19 = tpu.memref_slice %arg3[%add3A_11] : memref<8192xi32, #tpu.memory_space<hbm>> -> memref<64xi32, #tpu.memory_space<hbm>>
        tpu.wait_dma2 semaphore(%run_scoped3A : memref<!tpu.dma_semaphore, #tpu.memory_space<semaphore_mem>>) src(%dma_wait3A_19 : memref<64xi32, #tpu.memory_space<hbm>>) dst(%arg5 : memref<64xi32, #tpu.memory_space<vmem>>)
        tpu.yield
      }) : () -> ()
      %dma_start3A = arith.constant 0 : i32
      %dma_start3A_12 = arith.constant 0 : i32
      %dma_start3A_13 = tpu.memref_slice %arg2[%dma_start3A, %dma_start3A_12] : memref<17280x1024xf32, #tpu.memory_space<hbm>> -> memref<17280x1024xf32, #tpu.memory_space<hbm>>
      tpu.enqueue_indirect_dma source(%dma_start3A_13 : memref<17280x1024xf32, #tpu.memory_space<hbm>>) target(%arg6 : memref<64x1024xf32, #tpu.memory_space<vmem>>) offsets(%arg5 : memref<64xi32, #tpu.memory_space<vmem>>) semaphore(%arg7 : memref<!tpu.dma_semaphore, #tpu.memory_space<semaphore_mem>>)
      %dma_wait3A = arith.constant 0 : i32
      %dma_wait3A_14 = arith.constant 0 : i32
      %dma_wait3A_15 = tpu.memref_slice %arg2[%dma_wait3A, %dma_wait3A_14] : memref<17280x1024xf32, #tpu.memory_space<hbm>> -> memref<17280x1024xf32, #tpu.memory_space<hbm>>
      tpu.wait_indirect_dma semaphore(%arg7 : memref<!tpu.dma_semaphore, #tpu.memory_space<semaphore_mem>>) src(%dma_wait3A_15 : memref<17280x1024xf32, #tpu.memory_space<hbm>>) dst(%arg6 : memref<64x1024xf32, #tpu.memory_space<vmem>>)
      "tpu.region"() ({
        %run_scoped3A = tpu.sem_alloc : memref<!tpu.dma_semaphore, #tpu.memory_space<semaphore_mem>>
        %dma_start3A_16 = arith.constant 0 : i32
        %dma_start3A_17 = tpu.memref_slice %arg4[%add3A_11, %dma_start3A_16] : memref<8192x1024xf32, #tpu.memory_space<hbm>> -> memref<64x1024xf32, #tpu.memory_space<hbm>>
        %dma_start3A_18 = arith.constant 0 : i32
        %dma_start3A_19 = tpu.memref_slice %arg4[%add3A_11, %dma_start3A_18] : memref<8192x1024xf32, #tpu.memory_space<hbm>> -> memref<64x1024xf32, #tpu.memory_space<hbm>>
        tpu.enqueue_dma source(%arg6 : memref<64x1024xf32, #tpu.memory_space<vmem>>) target(%dma_start3A_19 : memref<64x1024xf32, #tpu.memory_space<hbm>>) target_semaphore(%run_scoped3A : memref<!tpu.dma_semaphore, #tpu.memory_space<semaphore_mem>>)
        %dma_wait3A_20 = arith.constant 0 : i32
        %dma_wait3A_21 = tpu.memref_slice %arg4[%add3A_11, %dma_wait3A_20] : memref<8192x1024xf32, #tpu.memory_space<hbm>> -> memref<64x1024xf32, #tpu.memory_space<hbm>>
        %dma_wait3A_22 = arith.constant 0 : i32
        %dma_wait3A_23 = tpu.memref_slice %arg4[%add3A_11, %dma_wait3A_22] : memref<8192x1024xf32, #tpu.memory_space<hbm>> -> memref<64x1024xf32, #tpu.memory_space<hbm>>
        tpu.wait_dma2 semaphore(%run_scoped3A : memref<!tpu.dma_semaphore, #tpu.memory_space<semaphore_mem>>) src(%arg6 : memref<64x1024xf32, #tpu.memory_space<vmem>>) dst(%dma_wait3A_23 : memref<64x1024xf32, #tpu.memory_space<hbm>>)
        tpu.yield
      }) : () -> ()
    }
    %scan3A_7 = arith.constant 4 : i32
    return
  }
}

#map = affine_map<(d0, d1) -> (0, 0)>
#map1 = affine_map<(d0, d1) -> (0, 0, 0)>
module attributes {stable_mosaic.version = 14 : i64} {
  func.func @body(%arg0: i32, %arg1: i32, %arg2: memref<8192x1024xf32, #tpu.memory_space<hbm>>, %arg3: memref<32x4x64xi32, #tpu.memory_space<hbm>>, %arg4: memref<17280x1024xf32, #tpu.memory_space<hbm>>, %arg5: memref<4x64xi32, #tpu.memory_space<vmem>>, %arg6: memref<64x1024xf32, #tpu.memory_space<vmem>>, %arg7: memref<!tpu.dma_semaphore, #tpu.memory_space<semaphore_mem>>) attributes {dimension_semantics = [#tpu.dimension_semantics<core_parallel>, #tpu.dimension_semantics<subcore_parallel>], iteration_bounds = array<i64: 2, 16>, scalar_prefetch = 0 : i64, scratch_operands = 3 : i64, tpu.core_type = #tpu.core_type<sc_vector_subcore>, window_params = [{transform_indices = #map}, {transform_indices = #map1}, {transform_indices = #map}]} {
    %mul3A = arith.constant 2 : i32
    %mul3A_0 = arith.muli %arg1, %mul3A : i32
    %add3A = arith.addi %mul3A_0, %arg0 : i32
    %mul3A_1 = arith.constant 256 : i32
    %mul3A_2 = arith.muli %add3A, %mul3A_1 : i32
    "tpu.region"() ({
      %run_scoped3A = tpu.sem_alloc : memref<!tpu.dma_semaphore, #tpu.memory_space<semaphore_mem>>
      %dma_start3A = arith.constant 0 : i32
      %dma_start3A_8 = arith.constant 0 : i32
      %dma_start3A_9 = tpu.memref_slice %arg3[%add3A, %dma_start3A, %dma_start3A_8] : memref<32x4x64xi32, #tpu.memory_space<hbm>> -> memref<1x4x64xi32, #tpu.memory_space<hbm>>
      %dma_start3A_10 = tpu.memref_squeeze %dma_start3A_9 : memref<1x4x64xi32, #tpu.memory_space<hbm>> -> memref<4x64xi32, #tpu.memory_space<hbm>>
      %dma_start3A_11 = arith.constant 0 : i32
      %dma_start3A_12 = arith.constant 0 : i32
      %dma_start3A_13 = tpu.memref_slice %arg3[%add3A, %dma_start3A_11, %dma_start3A_12] : memref<32x4x64xi32, #tpu.memory_space<hbm>> -> memref<1x4x64xi32, #tpu.memory_space<hbm>>
      %dma_start3A_14 = tpu.memref_squeeze %dma_start3A_13 : memref<1x4x64xi32, #tpu.memory_space<hbm>> -> memref<4x64xi32, #tpu.memory_space<hbm>>
      tpu.enqueue_dma source(%dma_start3A_14 : memref<4x64xi32, #tpu.memory_space<hbm>>) target(%arg5 : memref<4x64xi32, #tpu.memory_space<vmem>>) target_semaphore(%run_scoped3A : memref<!tpu.dma_semaphore, #tpu.memory_space<semaphore_mem>>)
      %dma_wait3A = arith.constant 0 : i32
      %dma_wait3A_15 = arith.constant 0 : i32
      %dma_wait3A_16 = tpu.memref_slice %arg3[%add3A, %dma_wait3A, %dma_wait3A_15] : memref<32x4x64xi32, #tpu.memory_space<hbm>> -> memref<1x4x64xi32, #tpu.memory_space<hbm>>
      %dma_wait3A_17 = tpu.memref_squeeze %dma_wait3A_16 : memref<1x4x64xi32, #tpu.memory_space<hbm>> -> memref<4x64xi32, #tpu.memory_space<hbm>>
      %dma_wait3A_18 = arith.constant 0 : i32
      %dma_wait3A_19 = arith.constant 0 : i32
      %dma_wait3A_20 = tpu.memref_slice %arg3[%add3A, %dma_wait3A_18, %dma_wait3A_19] : memref<32x4x64xi32, #tpu.memory_space<hbm>> -> memref<1x4x64xi32, #tpu.memory_space<hbm>>
      %dma_wait3A_21 = tpu.memref_squeeze %dma_wait3A_20 : memref<1x4x64xi32, #tpu.memory_space<hbm>> -> memref<4x64xi32, #tpu.memory_space<hbm>>
      tpu.wait_dma2 semaphore(%run_scoped3A : memref<!tpu.dma_semaphore, #tpu.memory_space<semaphore_mem>>) src(%dma_wait3A_21 : memref<4x64xi32, #tpu.memory_space<hbm>>) dst(%arg5 : memref<4x64xi32, #tpu.memory_space<vmem>>)
      tpu.yield
    }) : () -> ()
    %scan3A = arith.constant 0 : i32
    %scan3A_3 = arith.constant 0 : i32
    %scan3A_4 = arith.constant 4 : i32
    %scan3A_5 = arith.addi %scan3A_3, %scan3A_4 : i32
    %scan3A_6 = arith.constant 1 : i32
    scf.for %scan3A_8 = %scan3A_3 to %scan3A_5 step %scan3A_6  : i32 {
      %mul3A_9 = arith.constant 64 : i32
      %mul3A_10 = arith.muli %scan3A_8, %mul3A_9 : i32
      %add3A_11 = arith.addi %mul3A_2, %mul3A_10 : i32
      "tpu.region"() ({
        %run_scoped3A = tpu.sem_alloc : memref<!tpu.dma_semaphore, #tpu.memory_space<semaphore_mem>>
        %dma_start3A_22 = arith.constant 0 : i32
        %dma_start3A_23 = tpu.memref_slice %arg2[%add3A_11, %dma_start3A_22] : memref<8192x1024xf32, #tpu.memory_space<hbm>> -> memref<64x1024xf32, #tpu.memory_space<hbm>>
        %dma_start3A_24 = arith.constant 0 : i32
        %dma_start3A_25 = tpu.memref_slice %arg2[%add3A_11, %dma_start3A_24] : memref<8192x1024xf32, #tpu.memory_space<hbm>> -> memref<64x1024xf32, #tpu.memory_space<hbm>>
        tpu.enqueue_dma source(%dma_start3A_25 : memref<64x1024xf32, #tpu.memory_space<hbm>>) target(%arg6 : memref<64x1024xf32, #tpu.memory_space<vmem>>) target_semaphore(%run_scoped3A : memref<!tpu.dma_semaphore, #tpu.memory_space<semaphore_mem>>)
        %dma_wait3A_26 = arith.constant 0 : i32
        %dma_wait3A_27 = tpu.memref_slice %arg2[%add3A_11, %dma_wait3A_26] : memref<8192x1024xf32, #tpu.memory_space<hbm>> -> memref<64x1024xf32, #tpu.memory_space<hbm>>
        %dma_wait3A_28 = arith.constant 0 : i32
        %dma_wait3A_29 = tpu.memref_slice %arg2[%add3A_11, %dma_wait3A_28] : memref<8192x1024xf32, #tpu.memory_space<hbm>> -> memref<64x1024xf32, #tpu.memory_space<hbm>>
        tpu.wait_dma2 semaphore(%run_scoped3A : memref<!tpu.dma_semaphore, #tpu.memory_space<semaphore_mem>>) src(%dma_wait3A_29 : memref<64x1024xf32, #tpu.memory_space<hbm>>) dst(%arg6 : memref<64x1024xf32, #tpu.memory_space<vmem>>)
        tpu.yield
      }) : () -> ()
      %dma_start3A = arith.constant 0 : i32
      %dma_start3A_12 = tpu.memref_slice %arg5[%scan3A_8, %dma_start3A] : memref<4x64xi32, #tpu.memory_space<vmem>> -> memref<1x64xi32, #tpu.memory_space<vmem>>
      %dma_start3A_13 = tpu.memref_squeeze %dma_start3A_12 : memref<1x64xi32, #tpu.memory_space<vmem>> -> memref<64xi32, #tpu.memory_space<vmem>>
      %dma_start3A_14 = arith.constant 0 : i32
      %dma_start3A_15 = arith.constant 0 : i32
      %dma_start3A_16 = tpu.memref_slice %arg4[%dma_start3A_14, %dma_start3A_15] : memref<17280x1024xf32, #tpu.memory_space<hbm>> -> memref<17280x1024xf32, #tpu.memory_space<hbm>>
      tpu.enqueue_indirect_dma source(%arg6 : memref<64x1024xf32, #tpu.memory_space<vmem>>) target(%dma_start3A_16 : memref<17280x1024xf32, #tpu.memory_space<hbm>>) offsets(%dma_start3A_13 : memref<64xi32, #tpu.memory_space<vmem>>) semaphore(%arg7 : memref<!tpu.dma_semaphore, #tpu.memory_space<semaphore_mem>>)
      %dma_wait3A = arith.constant 0 : i32
      %dma_wait3A_17 = tpu.memref_slice %arg5[%scan3A_8, %dma_wait3A] : memref<4x64xi32, #tpu.memory_space<vmem>> -> memref<1x64xi32, #tpu.memory_space<vmem>>
      %dma_wait3A_18 = tpu.memref_squeeze %dma_wait3A_17 : memref<1x64xi32, #tpu.memory_space<vmem>> -> memref<64xi32, #tpu.memory_space<vmem>>
      %dma_wait3A_19 = arith.constant 0 : i32
      %dma_wait3A_20 = arith.constant 0 : i32
      %dma_wait3A_21 = tpu.memref_slice %arg4[%dma_wait3A_19, %dma_wait3A_20] : memref<17280x1024xf32, #tpu.memory_space<hbm>> -> memref<17280x1024xf32, #tpu.memory_space<hbm>>
      tpu.wait_indirect_dma semaphore(%arg7 : memref<!tpu.dma_semaphore, #tpu.memory_space<semaphore_mem>>) src(%arg6 : memref<64x1024xf32, #tpu.memory_space<vmem>>) dst(%dma_wait3A_21 : memref<17280x1024xf32, #tpu.memory_space<hbm>>)
    }
    %scan3A_7 = arith.constant 4 : i32
    return
  }
}

module attributes {stable_mosaic.version = 14 : i64} {
  func.func @_fused_body(%arg0: i32, %arg1: i32, %arg2: memref<30xi32, #tpu.memory_space<smem>>, %arg3: memref<1xi32, #tpu.memory_space<smem>>, %arg4: memref<576x1024xf32, #tpu.memory_space<vmem>>, %arg5: memref<1x2048x1024xf32, #tpu.memory_space<vmem>>, %arg6: memref<1x1024x2048xf32, #tpu.memory_space<vmem>>, %arg7: memref<576x1024xf32, #tpu.memory_space<vmem>>) attributes {dimension_semantics = [#tpu.dimension_semantics<arbitrary>, #tpu.dimension_semantics<arbitrary>], iteration_bounds = array<i64: 30, 2>, scalar_prefetch = 2 : i64, scratch_operands = 0 : i64, tpu.core_type = #tpu.core_type<tc>, window_params = [{transform_indices = @transform_0, window_bounds = array<i64: 576, 1024>}, {transform_indices = @transform_1, window_bounds = array<i64: 1, 2048, 1024>}, {transform_indices = @transform_2, window_bounds = array<i64: 1, 1024, 2048>}, {transform_indices = @transform_3, window_bounds = array<i64: 576, 1024>}]} {
    %get3A = arith.constant 0 : index
    %get3A_0 = memref.load %arg3[%get3A] : memref<1xi32, #tpu.memory_space<smem>>
    %lt3A = arith.cmpi slt, %arg0, %get3A_0 : i32
    %convert_element_type3A = arith.extui %lt3A : i1 to i32
    %cond3A = arith.constant 0 : i32
    %cond3A_1 = arith.cmpi ne, %convert_element_type3A, %cond3A : i32
    scf.if %cond3A_1 {
      %get3A_2 = arith.constant 0 : index
      %get3A_3 = arith.constant 0 : index
      %get3A_4 = vector.load %arg4[%get3A_2, %get3A_3] : memref<576x1024xf32, #tpu.memory_space<vmem>>, vector<576x1024xf32>
      %get3A_5 = arith.constant 0 : index
      %get3A_6 = arith.constant 0 : index
      %get3A_7 = arith.constant 0 : index
      %get3A_8 = vector.load %arg5[%get3A_5, %get3A_6, %get3A_7] : memref<1x2048x1024xf32, #tpu.memory_space<vmem>>, vector<1x2048x1024xf32>
      %get3A_9 = vector.shape_cast %get3A_8 : vector<1x2048x1024xf32> to vector<2048x1024xf32>
      %dot_general3A = arith.constant dense<0.000000e+00> : vector<576x2048xf32>
      %dot_general3A_10 = tpu.matmul %get3A_4, %get3A_9, %dot_general3A {dimension_numbers = #tpu.dot_dimension_numbers<[1], [1], [0], [0], [0, 0, 1, 0], [], []>, transpose_lhs_hint = false} : vector<576x1024xf32>, vector<2048x1024xf32>, vector<576x2048xf32> -> vector<576x2048xf32>
      %get3A_11 = arith.constant 0 : index
      %get3A_12 = arith.constant 0 : index
      %get3A_13 = arith.constant 0 : index
      %get3A_14 = vector.load %arg6[%get3A_11, %get3A_12, %get3A_13] : memref<1x1024x2048xf32, #tpu.memory_space<vmem>>, vector<1x1024x2048xf32>
      %get3A_15 = vector.shape_cast %get3A_14 : vector<1x1024x2048xf32> to vector<1024x2048xf32>
      %dot_general3A_16 = arith.constant dense<0.000000e+00> : vector<576x1024xf32>
      %dot_general3A_17 = tpu.matmul %dot_general3A_10, %get3A_15, %dot_general3A_16 {dimension_numbers = #tpu.dot_dimension_numbers<[1], [1], [0], [0], [0, 0, 1, 0], [], []>, transpose_lhs_hint = false} : vector<576x2048xf32>, vector<1024x2048xf32>, vector<576x1024xf32> -> vector<576x1024xf32>
      %eq3A = arith.constant 0 : i32
      %eq3A_18 = arith.cmpi eq, %arg1, %eq3A : i32
      %convert_element_type3A_19 = arith.extui %eq3A_18 : i1 to i32
      %cond3A_20 = arith.constant 0 : i32
      %cond3A_21 = arith.cmpi ne, %convert_element_type3A_19, %cond3A_20 : i32
      scf.if %cond3A_21 {
        %swap3A = arith.constant 0 : index
        %swap3A_26 = arith.constant 0 : index
        %swap3A_27 = vector.load %arg7[%swap3A, %swap3A_26] : memref<576x1024xf32, #tpu.memory_space<vmem>>, vector<576x1024xf32>
        tpu.vector_store %arg7[%swap3A, %swap3A_26], %dot_general3A_17 {strides = array<i32>} : memref<576x1024xf32, #tpu.memory_space<vmem>>, vector<576x1024xf32>,
      } else {
      }
      %gt3A = arith.constant 0 : i32
      %gt3A_22 = arith.cmpi sgt, %arg1, %gt3A : i32
      %convert_element_type3A_23 = arith.extui %gt3A_22 : i1 to i32
      %cond3A_24 = arith.constant 0 : i32
      %cond3A_25 = arith.cmpi ne, %convert_element_type3A_23, %cond3A_24 : i32
      scf.if %cond3A_25 {
        %get3A_26 = arith.constant 0 : index
        %get3A_27 = arith.constant 0 : index
        %get3A_28 = vector.load %arg7[%get3A_26, %get3A_27] : memref<576x1024xf32, #tpu.memory_space<vmem>>, vector<576x1024xf32>
        %add3A = arith.addf %get3A_28, %dot_general3A_17 : vector<576x1024xf32>
        %swap3A = arith.constant 0 : index
        %swap3A_29 = arith.constant 0 : index
        %swap3A_30 = vector.load %arg7[%swap3A, %swap3A_29] : memref<576x1024xf32, #tpu.memory_space<vmem>>, vector<576x1024xf32>
        tpu.vector_store %arg7[%swap3A, %swap3A_29], %add3A {strides = array<i32>} : memref<576x1024xf32, #tpu.memory_space<vmem>>, vector<576x1024xf32>,
      } else {
      }
    } else {
    }
    return
  }
  func.func @transform_0(%arg0: i32, %arg1: i32, %arg2: memref<30xi32, #tpu.memory_space<smem>>, %arg3: memref<1xi32, #tpu.memory_space<smem>>) -> (i32, i32) {
    %get3A = arith.constant 0 : index
    %get3A_0 = memref.load %arg3[%get3A] : memref<1xi32, #tpu.memory_space<smem>>
    %sub3A = arith.constant 1 : i32
    %sub3A_1 = arith.subi %get3A_0, %sub3A : i32
    %min3A = arith.minsi %arg0, %sub3A_1 : i32
    %c0_i32 = arith.constant 0 : i32
    %c0_i32_2 = arith.constant 0 : i32
    return %min3A, %c0_i32 : i32, i32
  }
  func.func @transform_1(%arg0: i32, %arg1: i32, %arg2: memref<30xi32, #tpu.memory_space<smem>>, %arg3: memref<1xi32, #tpu.memory_space<smem>>) -> (i32, i32, i32) {
    %get3A = arith.index_cast %arg0 : i32 to index
    %get3A_0 = memref.load %arg2[%get3A] : memref<30xi32, #tpu.memory_space<smem>>
    %get3A_1 = arith.constant 0 : index
    %get3A_2 = memref.load %arg3[%get3A_1] : memref<1xi32, #tpu.memory_space<smem>>
    %jit3A = arith.constant 2 : i32
    %eq3A = arith.constant 0 : i32
    %eq3A_3 = arith.cmpi eq, %jit3A, %eq3A : i32
    %jit3A_4 = arith.constant 1 : i32
    %select_n3A = arith.select %eq3A_3, %jit3A_4, %jit3A : i32
    %rem3A = arith.remsi %arg0, %select_n3A : i32
    %ne3A = arith.constant 0 : i32
    %ne3A_5 = arith.cmpi ne, %rem3A, %ne3A : i32
    %lt3A = arith.constant 0 : i32
    %lt3A_6 = arith.cmpi slt, %rem3A, %lt3A : i32
    %lt3A_7 = arith.constant 0 : i32
    %lt3A_8 = arith.cmpi slt, %select_n3A, %lt3A_7 : i32
    %ne3A_9 = arith.xori %lt3A_6, %lt3A_8 : i1
    %and3A = arith.andi %ne3A_9, %ne3A_5 : i1
    %add3A = arith.addi %rem3A, %select_n3A : i32
    %select_n3A_10 = arith.select %and3A, %add3A, %rem3A : i32
    %eq3A_11 = arith.constant 0 : i32
    %eq3A_12 = arith.cmpi eq, %select_n3A_10, %eq3A_11 : i32
    %sub3A = arith.constant 1 : i32
    %sub3A_13 = arith.subi %sub3A, %arg1 : i32
    %select_n3A_14 = arith.select %eq3A_12, %arg1, %sub3A_13 : i32
    %sub3A_15 = arith.constant 1 : i32
    %sub3A_16 = arith.subi %get3A_2, %sub3A_15 : i32
    %jit3A_17 = arith.constant 2 : i32
    %eq3A_18 = arith.constant 0 : i32
    %eq3A_19 = arith.cmpi eq, %jit3A_17, %eq3A_18 : i32
    %jit3A_20 = arith.constant 1 : i32
    %select_n3A_21 = arith.select %eq3A_19, %jit3A_20, %jit3A_17 : i32
    %rem3A_22 = arith.remsi %sub3A_16, %select_n3A_21 : i32
    %ne3A_23 = arith.constant 0 : i32
    %ne3A_24 = arith.cmpi ne, %rem3A_22, %ne3A_23 : i32
    %lt3A_25 = arith.constant 0 : i32
    %lt3A_26 = arith.cmpi slt, %rem3A_22, %lt3A_25 : i32
    %lt3A_27 = arith.constant 0 : i32
    %lt3A_28 = arith.cmpi slt, %select_n3A_21, %lt3A_27 : i32
    %ne3A_29 = arith.xori %lt3A_26, %lt3A_28 : i1
    %and3A_30 = arith.andi %ne3A_29, %ne3A_24 : i1
    %add3A_31 = arith.addi %rem3A_22, %select_n3A_21 : i32
    %select_n3A_32 = arith.select %and3A_30, %add3A_31, %rem3A_22 : i32
    %eq3A_33 = arith.constant 0 : i32
    %eq3A_34 = arith.cmpi eq, %select_n3A_32, %eq3A_33 : i32
    %jit3A_35 = arith.constant 1 : i32
    %jit3A_36 = arith.constant 0 : i32
    %select_n3A_37 = arith.select %eq3A_34, %jit3A_35, %jit3A_36 : i32
    %lt3A_38 = arith.cmpi slt, %arg0, %get3A_2 : i32
    %select_n3A_39 = arith.select %lt3A_38, %select_n3A_14, %select_n3A_37 : i32
    %c0_i32 = arith.constant 0 : i32
    %c0_i32_40 = arith.constant 0 : i32
    return %get3A_0, %select_n3A_39, %c0_i32 : i32, i32, i32
  }
  func.func @transform_2(%arg0: i32, %arg1: i32, %arg2: memref<30xi32, #tpu.memory_space<smem>>, %arg3: memref<1xi32, #tpu.memory_space<smem>>) -> (i32, i32, i32) {
    %get3A = arith.index_cast %arg0 : i32 to index
    %get3A_0 = memref.load %arg2[%get3A] : memref<30xi32, #tpu.memory_space<smem>>
    %get3A_1 = arith.constant 0 : index
    %get3A_2 = memref.load %arg3[%get3A_1] : memref<1xi32, #tpu.memory_space<smem>>
    %jit3A = arith.constant 2 : i32
    %eq3A = arith.constant 0 : i32
    %eq3A_3 = arith.cmpi eq, %jit3A, %eq3A : i32
    %jit3A_4 = arith.constant 1 : i32
    %select_n3A = arith.select %eq3A_3, %jit3A_4, %jit3A : i32
    %rem3A = arith.remsi %arg0, %select_n3A : i32
    %ne3A = arith.constant 0 : i32
    %ne3A_5 = arith.cmpi ne, %rem3A, %ne3A : i32
    %lt3A = arith.constant 0 : i32
    %lt3A_6 = arith.cmpi slt, %rem3A, %lt3A : i32
    %lt3A_7 = arith.constant 0 : i32
    %lt3A_8 = arith.cmpi slt, %select_n3A, %lt3A_7 : i32
    %ne3A_9 = arith.xori %lt3A_6, %lt3A_8 : i1
    %and3A = arith.andi %ne3A_9, %ne3A_5 : i1
    %add3A = arith.addi %rem3A, %select_n3A : i32
    %select_n3A_10 = arith.select %and3A, %add3A, %rem3A : i32
    %eq3A_11 = arith.constant 0 : i32
    %eq3A_12 = arith.cmpi eq, %select_n3A_10, %eq3A_11 : i32
    %sub3A = arith.constant 1 : i32
    %sub3A_13 = arith.subi %sub3A, %arg1 : i32
    %select_n3A_14 = arith.select %eq3A_12, %arg1, %sub3A_13 : i32
    %sub3A_15 = arith.constant 1 : i32
    %sub3A_16 = arith.subi %get3A_2, %sub3A_15 : i32
    %jit3A_17 = arith.constant 2 : i32
    %eq3A_18 = arith.constant 0 : i32
    %eq3A_19 = arith.cmpi eq, %jit3A_17, %eq3A_18 : i32
    %jit3A_20 = arith.constant 1 : i32
    %select_n3A_21 = arith.select %eq3A_19, %jit3A_20, %jit3A_17 : i32
    %rem3A_22 = arith.remsi %sub3A_16, %select_n3A_21 : i32
    %ne3A_23 = arith.constant 0 : i32
    %ne3A_24 = arith.cmpi ne, %rem3A_22, %ne3A_23 : i32
    %lt3A_25 = arith.constant 0 : i32
    %lt3A_26 = arith.cmpi slt, %rem3A_22, %lt3A_25 : i32
    %lt3A_27 = arith.constant 0 : i32
    %lt3A_28 = arith.cmpi slt, %select_n3A_21, %lt3A_27 : i32
    %ne3A_29 = arith.xori %lt3A_26, %lt3A_28 : i1
    %and3A_30 = arith.andi %ne3A_29, %ne3A_24 : i1
    %add3A_31 = arith.addi %rem3A_22, %select_n3A_21 : i32
    %select_n3A_32 = arith.select %and3A_30, %add3A_31, %rem3A_22 : i32
    %eq3A_33 = arith.constant 0 : i32
    %eq3A_34 = arith.cmpi eq, %select_n3A_32, %eq3A_33 : i32
    %jit3A_35 = arith.constant 1 : i32
    %jit3A_36 = arith.constant 0 : i32
    %select_n3A_37 = arith.select %eq3A_34, %jit3A_35, %jit3A_36 : i32
    %lt3A_38 = arith.cmpi slt, %arg0, %get3A_2 : i32
    %select_n3A_39 = arith.select %lt3A_38, %select_n3A_14, %select_n3A_37 : i32
    %c0_i32 = arith.constant 0 : i32
    %c0_i32_40 = arith.constant 0 : i32
    return %get3A_0, %c0_i32, %select_n3A_39 : i32, i32, i32
  }
  func.func @transform_3(%arg0: i32, %arg1: i32, %arg2: memref<30xi32, #tpu.memory_space<smem>>, %arg3: memref<1xi32, #tpu.memory_space<smem>>) -> (i32, i32) {
    %c0_i32 = arith.constant 0 : i32
    %c0_i32_0 = arith.constant 0 : i32
    return %arg0, %c0_i32 : i32, i32
  }
}

</mosaic_0001>

<sc_bundles>
// kernel: kernel.5.cloned.1.call-start
scs
__scs_entry_jumppad:
0x0: {  	(pc) =	sbr.rel $0x88, $3  }
0x1: {  	(tag) =	ssettag $0x0;
	lr =	simm.s32 $0x1  }
0x2: {  	[smem:$0x3F9D] =	sst lr;
	_ =	strace $0xD0000000  }
0x3: {  	_ = 	snop  }
0x4: {  	_ = 	snop  }
0x5: {  	_ = 	snop  }
0x6: {  	_ = 	snop  }
0x7: {  	_ = 	snop  }
__scs_overlays_trampoline_lowered:
0x8: {  	[smem:$0x3FAC] =	sst s0  }
0x9: {  	[smem:$0x3FAD] =	sst s1  }
0xa: {  	[smem:$0x3FAE] =	sst s2  }
0xb: {  	[smem:$0x3FAF] =	sst s3  }
0xc: {  	[smem:$0x3FB0] =	sst s4  }
0xd: {  	[smem:$0x3FB1] =	sst s5  }
0xe: {  	[smem:$0x3FB2] =	sst s6  }
0xf: {  	[smem:$0x3FB3] =	sst s7  }
0x10: {  	[smem:$0x3FB4] =	sst s8  }
0x11: {  	[smem:$0x3FB5] =	sst s9;
	s0 =	simm.s32 @!p0 $0x0  }
0x12: {  	s1 =	sld [smem:$0x3F9B];
	s0 =	simm.s32 @p0 $0x1  }
0x13: {  	[smem:$0x3FB6] =	sst s0;
	s0 =	simm.s32 @!p1 $0x0  }
0x14: {  	s2 =	sld [smem:$0x3F9A];
	s0 =	simm.s32 @p1 $0x1  }
0x15: {  	[smem:$0x3FB7] =	sst s0;
	s0 =	simm.s32 @!p2 $0x0  }
0x16: {  	s3 =	sld [smem:$0x3FDB];
	s0 =	simm.s32 @p2 $0x1  }
0x17: {  	s4 =	simm.s32 $0x1BF5;
	[smem:$0x3FB9] =	sst s0  }
0x18: {  	s0 =	sld [smem:$0x3F9C];
	_ =	swait.ge [sflag:s4], $0x0  }
0x19: {  	s7 =	sld [smem:$0x3F9D]  }
0x1a: {  	s8 =	sadd.s32 $0xFFFFE003, lr  }
0x1b: {  	s9 =	sadd.s32 $0xFFFFFEF7, lr;
	s5 =	simm.s32 $0xFFFFFFFF;
	p2 =	slt.u32 s8, $0xFFFFF086  }
0x1c: {  	p1 =	slt.u32 s9, $0xF7A;
	s5 =	simm.s32 @!p2 $0x0  }
0x1d: {  	s5 =	simm.s32 @p1 $0x1;
	p0 =	seq.s32 s7, s2  }
0x1e: {  	s7 =	smul.u32 @!p0 $0xF7A, s2;
	p2 =	seq.s32 @!p0 s5, $0x0  }
0x1f: {  	s9 =	smul.u32 $0xF7A, s1;
	s8 =	simm.s32 @!p0 $0x1BF5;
	p2 =	por !p2, p0  }
0x20: {  	[sflag:s8] =	ssyncset.s32 @!p0 $0xFFFFF086;
	s6 =	sadd.s32 @!p0 s3, s7;
	s7 =	simm.s32 @!p0 $0x108  }
0x21: {  	s3 =	sadd.s32 s3, s9;
	s6 =	sadd.s32 @!p0 $0x88, s6;
	s7 =	simm.s32 @p2 $0x1082  }
0x22: {  	[simem:s7], [sflag:s8] =	dma.local @!p0 [hbm:s6], $0xF7A  }
0x23: {  	s9 =	sor.u32 $0xD0000000, s2;
	s6 =	simm.s32 $0x108;
	_ =	swait.ge @!p0 [sflag:s8], $0x0  }
0x24: {  	s3 =	sadd.s32 $0x88, s3;
	s6 =	simm.s32 @!p1 $0x1082;
	[sflag:s4] =	ssyncset.s32 $0xFFFFF086  }
0x25: {  	[simem:s6], [sflag:s4] =	dma.local [hbm:s3], $0xF7A  }
0x26: {  	[smem:$0x3F9D] =	sst s1;
	(tag) =	ssettag s2;
	_ =	strace s9  }
0x27: {  	s1 =	sld [smem:$0x3FAD]  }
0x28: {  	s2 =	sld [smem:$0x3FAE]  }
0x29: {  	s4 =	sld [smem:$0x3FB0]  }
0x2a: {  	p0 =	seq.s32 s5, $0x0;
	s5 =	sld [smem:$0x3FB1]  }
0x2b: {  	s6 =	sld [smem:$0x3FB2]  }
0x2c: {  	s7 =	sld [smem:$0x3FB3]  }
0x2d: {  	s3 =	simm.s32 $0x108;
	s8 =	sld [smem:$0x3FB4]  }
0x2e: {  	s3 =	simm.s32 @!p0 $0x1082;
	s9 =	sld [smem:$0x3FB5]  }
0x2f: {  	lr =	sadd.s32 s0, s3;
	s0 =	sld [smem:$0x3FAC]  }
0x30: {  	s3 =	sld [smem:$0x3FAF]  }
0x31: {  	[smem:$0x3FB8] =	sst s10  }
0x32: {  	s10 =	sld [smem:$0x3FB6];
	_ =	sdelay $0x3  }
0x33: {  	p0 =	seq.s32 s10, $0x1;
	s10 =	sld [smem:$0x3FB8];
	_ =	sdelay $0x3  }
0x34: {  	[smem:$0x3FB8] =	sst s10  }
0x35: {  	s10 =	sld [smem:$0x3FB7];
	_ =	sdelay $0x3  }
0x36: {  	p1 =	seq.s32 s10, $0x1;
	s10 =	sld [smem:$0x3FB8];
	_ =	sdelay $0x3  }
0x37: {  	[smem:$0x3FB8] =	sst s10  }
0x38: {  	s10 =	sld [smem:$0x3FB9]  }
0x39: {  	_ = 	snop;
	(pc) =	sbr.ind lr, $3  }
0x3a: {  	_ = 	snop  }
0x3b: {  	_ = 	snop  }
0x3c: {  	p2 =	seq.s32 s10, $0x1;
	s10 =	sld [smem:$0x3FB8]  }
0x3d: {  	_ =	shalt  }
0x3e: {  	_ =	shalt  }
0x3f: {  	_ =	shalt  }
0x40: {  	_ =	shalt  }
0x41: {  	_ =	shalt  }
0x42: {  	_ =	shalt  }
0x43: {  	_ =	shalt  }
0x44: {  	_ =	shalt  }
0x45: {  	_ =	shalt  }
0x46: {  	_ =	shalt  }
0x47: {  	_ =	shalt  }
0x48: {  	_ =	shalt  }
0x49: {  	_ =	shalt  }
0x4a: {  	_ =	shalt  }
0x4b: {  	_ =	shalt  }
0x4c: {  	_ =	shalt  }
0x4d: {  	_ =	shalt  }
0x4e: {  	_ =	shalt  }
0x4f: {  	_ =	shalt  }
0x50: {  	_ =	shalt  }
0x51: {  	_ =	shalt  }
0x52: {  	_ =	shalt  }
0x53: {  	_ =	shalt  }
0x54: {  	_ =	shalt  }
0x55: {  	_ =	shalt  }
0x56: {  	_ =	shalt  }
0x57: {  	_ =	shalt  }
0x58: {  	_ =	shalt  }
0x59: {  	_ =	shalt  }
0x5a: {  	_ =	shalt  }
0x5b: {  	_ =	shalt  }
0x5c: {  	_ =	shalt  }
0x5d: {  	_ =	shalt  }
0x5e: {  	_ =	shalt  }
0x5f: {  	_ =	shalt  }
0x60: {  	_ =	shalt  }
0x61: {  	_ =	shalt  }
0x62: {  	_ =	shalt  }
0x63: {  	_ =	shalt  }
0x64: {  	_ =	shalt  }
0x65: {  	_ =	shalt  }
0x66: {  	_ =	shalt  }
0x67: {  	_ =	shalt  }
0x68: {  	_ =	shalt  }
0x69: {  	_ =	shalt  }
0x6a: {  	_ =	shalt  }
0x6b: {  	_ =	shalt  }
0x6c: {  	_ =	shalt  }
0x6d: {  	_ =	shalt  }
0x6e: {  	_ =	shalt  }
0x6f: {  	_ =	shalt  }
0x70: {  	_ =	shalt  }
0x71: {  	_ =	shalt  }
0x72: {  	_ =	shalt  }
0x73: {  	_ =	shalt  }
0x74: {  	_ =	shalt  }
0x75: {  	_ =	shalt  }
0x76: {  	_ =	shalt  }
0x77: {  	_ =	shalt  }
0x78: {  	_ =	shalt  }
0x79: {  	_ =	shalt  }
0x7a: {  	_ =	shalt  }
0x7b: {  	_ =	shalt  }
0x7c: {  	_ =	shalt  }
0x7d: {  	_ =	shalt  }
0x7e: {  	_ =	shalt  }
0x7f: {  	_ =	shalt  }
0x80: {  	_ =	shalt  }
0x81: {  	_ =	shalt  }
0x82: {  	_ =	shalt  }
0x83: {  	_ =	shalt  }
0x84: {  	_ =	shalt  }
0x85: {  	_ =	shalt  }
0x86: {  	_ =	shalt  }
0x87: {  	_ =	shalt  }
.Lfunc_end0:
.L_simem_size_0:
called_computation_lowered:
.L_overlay_start_0:
0x88: {  	s2 =	sld [smem:$0x3FD9]  }
0x89: {  	s3 =	sld [smem:$0x3FFE];
	_ =	sdelay $0x1  }
0x8a: {  	s1 =	srdreg.scid  }
0x8b: {  	s0 =	sand.u32 $0x1, s1  }
0x8c: {  	s17 =	sshll.u32 s0, $0xA;
	s2 =	sadd.s32 s3, s2  }
0x8d: {  	s2 =	sadd.s32 s2, s17  }
0x8e: {  	[smem:$0x3FC4] =	sst s2  }
0x8f: {  	_ = 	snop  }
0x90: {  	s2 =	sld [smem:$0x3FC9]  }
0x91: {  	s18 =	sld [smem:$0x3FD0];
	(tm) =	ssettm $0x1  }
0x92: {  	s4 =	sld [smem:$0x3FFB];
	_ =	sdelay $0x3  }
0x93: {  	_ =	strace s4  }
0x94: {  	s4 =	sld [smem:$0x3FFC];
	_ =	sdelay $0x3  }
0x95: {  	_ =	strace s4  }
0x96: {  	s4 =	sld [smem:$0x3FFD];
	_ =	sdelay $0x3  }
0x97: {  	_ =	strace s4  }
0x98: {  	_ =	strace $0x8FFFFFFF  }
0x99: {  	s19 =	sld [smem:$0x3FDB];
	_ =	sdelay $0x1  }
0x9a: {  	s5 =	simm.s32 $_scs_section_size  }
0x9b: {  	s6 =	simm.s32 $_size__tile_overlayer_lowered;
	s7 =	simm.s32 $_tile_overlayer_lowered  }
0x9c: {  	s22 =	simm.s32 $0x1BFF;
	s21 =	sshll.u32 s7, $0x1;
	s4 =	sadd.s32 s5, s19  }
0x9d: {  	s8 =	simm.s32 $0x0;
	s20 =	sshll.u32 s6, $0x1;
	s6 =	sadd.s32 s21, s4  }
0x9e: {  	[timem:s8], [sflag:s22] =	dma.local [hbm:s6], s20  }
0x9f: {  	_ =	swait.ge [sflag:s22], s20  }
0xa0: {  	s5 =	ssub.s32 $0x0, s20;
	[sflag:s22] =	ssyncset.done $0x0  }
0xa1: {  	[sflag:s22] =	ssyncadd.s32 s5;
	_ =	sdelay $0x1  }
0xa2: {  	s23 =	simm.s32 $0x1B8B  }
0xa3: {  	_ =	swait.ge [sflag:s23], $0x1  }
0xa4: {  	[sflag:s23] =	ssyncset.done $0x0  }
0xa5: {  	s25 =	simm.s32 $0x1B8E;
	s24 =	sld [smem:$0x3FFE];
	[sflag:s23] =	ssyncadd.s32 $0xFFFFFFFF  }
0xa6: {  	s26 =	simm.s32 $execute0_lowered;
	[smem:$0x3FD2] =	sst s25  }
0xa7: {  	s6 =	sshll.u32 s26, $0x1;
	_ =	strace $0x80000046;
	[dreg:$0x1] =	wrdreg $0xFFFFFFFF  }
0xa8: {  	s28 =	simm.s32 $_size_execute0_lowered;
	s4 =	sadd.s32 s4, s6;
	[dreg:$0x0] =	wrdreg $0x0  }
0xa9: {  	s6 =	sshll.u32 s28, $0x1;
	[dreg:$0x2] =	wrdreg s4  }
0xaa: {  	[dreg:$0x3] =	wrdreg s6  }
0xab: {  	[dreg:$0x4] =	wrdreg $0xC0  }
0xac: {  	_ =	task [dreg:s8], $0x5FFFF  }
0xad: {  	[dreg:$0x1] =	wrdreg $0xFFFFFFFF  }
0xae: {  	[dreg:$0x0] =	wrdreg $0x60  }
0xaf: {  	[dreg:$0x2] =	wrdreg s2  }
0xb0: {  	[dreg:$0x3] =	wrdreg s18  }
0xb1: {  	[dreg:$0x4] =	wrdreg s24  }
0xb2: {  	[dreg:$0x5] =	wrdreg $0x9  }
0xb3: {  	_ =	task.clear_ibuf [dreg:s8], $0x6FFFF;
	_ =	strace $0x90000046  }
0xb4: {  	s29 =	simm.s32 $0x9;
	_ =	strace $0x80000048  }
0xb5: {  	_ =	swait.ge [sflag:s29], $0x1  }
0xb6: {  	[sflag:s29] =	ssyncadd.s32 $0xFFFFFFFF  }
0xb7: {  	_ =	strace $0x90000048  }
0xb8: {  	_ =	sfence  }
0xb9: {  	s30 =	sld [smem:$0x0];
	_ =	sdelay $0x2  }
0xba: {  	s31 =	sshll.u32 s1, $0xD;
	s1 =	sshrl.u32 s1, $0x2  }
0xbb: {  	s3 =	sand.u32 $0x4000, s31;
	s1 =	sadd.s32 s1, s30  }
0xbc: {  	s0 =	sor.u32 s3, s0;
	s1 =	sshll.u32 s1, $0x11  }
0xbd: {  	s0 =	sor.u32 s1, s0  }
0xbe: {  	s0 =	sadd.s32 $0x8F2B, s0  }
0xbf: {  	[sflag:s0] =	ssyncadd.remote.s32 $0x1  }
0xc0: {  	_ =	sfence.sel $0xFFFF  }
0xc1: {  	[dreg:$0x0] =	wrdreg $0xFFFFFFFF;
	(pc) =	sbr.abs _section_cstart, $3  }
0xc2: {  	[dreg:$0x1] =	wrdreg $0xFFFFFFFF  }
0xc3: {  	_ =	task.clear_ibuf [dreg:s8], $0x2FFFF;
	_ =	strace $0x9FFFFFFF  }
0xc4: {  	(tm) =	ssettm $0x7FFFFFFF  }
0xc5: {  	_ =	shalt  }
tec
execute0_lowered:
.L_overlay_start_1:
0x0: {  	(tag) =	ssettag $0x1  }
0x1: {  	s0 =	rddreg [dreg:$0x0]  }
0x2: {  	s1 =	rddreg [dreg:$0x1]  }
0x3: {  	s7 =	rddreg [dreg:$0x2];
	s3 =	srdreg.scid  }
0x4: {  	s9 =	stileid.u32;
	s2 =	simm.s32 $0x0;
	s12 =	simm.s32 $0xA00  }
0x5: {  	s13 =	simm.s32 $0x1200;
	s14 =	simm.s32 $0x1A00;
	[smem:$0x7FF] =	sst s2  }
0x6: {  	s16 =	simm.s32 $0x2200;
	_ =	strace $0x80000047;
	[dreg:$0x5] =	wrdreg s12  }
0x7: {  	s17 =	simm.s32 $0x2A00;
	s18 =	simm.s32 $0x3200;
	[dreg:$0x6] =	wrdreg s13  }
0x8: {  	s19 =	simm.s32 $0x3A00;
	s20 =	simm.s32 $0x4200;
	[dreg:$0x7] =	wrdreg s14  }
0x9: {  	s21 =	simm.s32 $0x4A00;
	s22 =	simm.s32 $0x5200;
	[dreg:$0x8] =	wrdreg s16  }
0xa: {  	s24 =	simm.s32 $0x5A00;
	s25 =	simm.s32 $0x6200;
	[dreg:$0x9] =	wrdreg s17  }
0xb: {  	s26 =	simm.s32 $0x6A00;
	s28 =	simm.s32 $0xF200;
	[dreg:$0xa] =	wrdreg s18  }
0xc: {  	s29 =	simm.s32 $0xFA00;
	s30 =	simm.s32 $0x1;
	[dreg:$0xb] =	wrdreg s19  }
0xd: {  	s31 =	simm.s32 $0x0;
	s4 =	sand.u32 $0x1, s3;
	[dreg:$0xc] =	wrdreg s20  }
0xe: {  	s10 =	sshll.u32 s9, $0x10;
	s3 =	sadd.s32 $0x400, s7;
	[dreg:$0xd] =	wrdreg s21  }
0xf: {  	s15 =	sshll.u32 s9, $0x7;
	s9 =	simm.s32 $0x2;
	[dreg:$0xe] =	wrdreg s22  }
0x10: {  	s0 =	sadd.s32 s10, s0;
	s5 =	sshll.u32 s4, $0xF;
	[dreg:$0xf] =	wrdreg s24  }
0x11: {  	s11 =	ssub.s32 $0x2, s4;
	s4 =	sshll.u32 s4, $0x6;
	[dreg:$0x10] =	wrdreg s25  }
0x12: {  	s10 =	simm.s32 $0x200;
	[dreg:$0x11] =	wrdreg s26;
	s12 =	simm.s32 $0x7A00  }
0x13: {  	s13 =	simm.s32 $0x8200;
	s14 =	simm.s32 $0x8A00;
	s16 =	simm.s32 $0x9A00  }
0x14: {  	s17 =	simm.s32 $0xA200;
	s18 =	simm.s32 $0xAA00;
	s19 =	simm.s32 $0xB200  }
0x15: {  	s20 =	simm.s32 $0xBA00;
	s21 =	simm.s32 $0xC200;
	s22 =	simm.s32 $0xCA00  }
0x16: {  	s24 =	simm.s32 $0xDA00;
	s25 =	simm.s32 $0xE200;
	s26 =	simm.s32 $0xEA00  }
0x17: {  	s0 =	sadd.s32 s5, s0;
	s6 =	sshrl.u32 s11, $0x1;
	s4 =	sor.u32 s4, s15  }
0x18: {  	s5 =	sadd.s32 $0x500, s7;
	s15 =	simm.s32 $0x9200;
	[dreg:$0x4] =	wrdreg s0  }
0x19: {  	v2 =	vlaneseq.u32;
	s8 =	ssub.s32 s11, s6;
	s1 =	sadd.s32 s1, s4;
	s6 =	sadd.s32 $0x600, s7  }
0x1a: {  	vm0 =	vmmov $0xffff;
	v1 =	vshrl.u32 v2, $0x3;
	s7 =	sadd.s32 $0x700, s7;
	[dreg:$0x12] =	wrdreg s1;
	s23 =	smax.u32 s8, $0x1  }
0x1b: {  	v0 =	vand.u32 $0x7, v2;
	v2 =	vor.u32 $0x8, v2;
	v1 =	vmul.u32 $0x8, v1;
	s11 =	simm.s32 $0x7200;
	[dreg:$0x13] =	wrdreg s23;
	s23 =	simm.s32 $0xD200  }
.LBB2_1:
0x1c: {  	s0 =	rddreg [dreg:$0x12]  }
0x1d: {  	[tilespmem:s2], [sflag:$0x2] =	stream.linear.gather [hbm4b:s0+s2], $0x200, $0x38;
	[tilespmem:$0x10200] =	vst v63  }
0x1e: {  	_ =	swait.ge [sflag:s9], $0x200  }
0x1f: {  	[sflag:s9] =	ssyncset.done $0x0  }
0x20: {  	s1 =	simm.s32 $0x0;
	s0 =	simm.s32 $0x20;
	[sflag:s9] =	ssyncadd.s32 $0xFFFFFE00  }
.LBB2_2:
0x21: {  	s4 =	rddreg [dreg:$0x4]  }
0x22: {  	s4 =	sadd.s32 s1, s4  }
0x23: {  	[tilespmem:s10], [sflag:$0x2] =	stream.linear.gather [hbm4b:s4+s2], $0x10000, $0x38;
	[tilespmem:$0x10200] =	vst v63  }
0x24: {  	_ =	swait.ge [sflag:s9], $0x10000  }
0x25: {  	[sflag:s9] =	ssyncset.done $0x0  }
0x26: {  	[sflag:s9] =	ssyncadd.s32 $0xFFFF0000  }
0x27: {  	v3 =	vld [tilespmem:s0+$0xFFFFFFE0];
	_ =	sdelay $0x4  }
0x28: {  	v4 =	vshll.u32 v3, $0x3  }
0x29: {  	v3 =	vand.u32 $0x7, v3;
	v4 =	vand.u32 $0xFFFFFFC0, v4  }
0x2a: {  	v3 =	vor.u32 v3, v4  }
0x2b: {  	v4 =	vperm.xlane v3, v0;
	_ =	sdelay $0x1  }
0x2c: {  	v4 =	vadd.s32 v1, v4;
	_ =	sdelay $0x4  }
0x2d: {  	[hbm4b:s3+s2] =	stream.indirect_vreg.scatter [tilespmem:s10], [sflag:$0x1], $0x80, v4, vm0, $0xb8;
	[tilespmem:$0x10200] =	vst v63  }
0x2e: {  	s4 =	rddreg [dreg:$0x5];
	v3 =	vperm.xlane v3, v2  }
0x2f: {  	[hbm4b:s5+s2] =	stream.indirect_vreg.scatter [tilespmem:s4], [sflag:$0x1], $0x80, v4, vm0, $0xb8;
	[tilespmem:$0x10200] =	vst v63  }
0x30: {  	s8 =	rddreg [dreg:$0x6];
	v3 =	vadd.s32 v1, v3  }
0x31: {  	[hbm4b:s6+s2] =	stream.indirect_vreg.scatter [tilespmem:s8], [sflag:$0x1], $0x80, v4, vm0, $0xb8;
	[tilespmem:$0x10200] =	vst v63  }
0x32: {  	s4 =	rddreg [dreg:$0x7]  }
0x33: {  	[hbm4b:s7+s2] =	stream.indirect_vreg.scatter [tilespmem:s4], [sflag:$0x1], $0x80, v4, vm0, $0xb8;
	[tilespmem:$0x10200] =	vst v63  }
0x34: {  	s8 =	rddreg [dreg:$0x8]  }
0x35: {  	[hbm4b:s3+s2] =	stream.indirect_vreg.scatter [tilespmem:s8], [sflag:$0x1], $0x80, v3, vm0, $0xb8;
	[tilespmem:$0x10200] =	vst v63  }
0x36: {  	s4 =	rddreg [dreg:$0x9]  }
0x37: {  	[hbm4b:s5+s2] =	stream.indirect_vreg.scatter [tilespmem:s4], [sflag:$0x1], $0x80, v3, vm0, $0xb8;
	[tilespmem:$0x10200] =	vst v63  }
0x38: {  	s8 =	rddreg [dreg:$0xa]  }
0x39: {  	[hbm4b:s6+s2] =	stream.indirect_vreg.scatter [tilespmem:s8], [sflag:$0x1], $0x80, v3, vm0, $0xb8;
	[tilespmem:$0x10200] =	vst v63  }
0x3a: {  	s4 =	rddreg [dreg:$0xb]  }
0x3b: {  	[hbm4b:s7+s2] =	stream.indirect_vreg.scatter [tilespmem:s4], [sflag:$0x1], $0x80, v3, vm0, $0xb8;
	[tilespmem:$0x10200] =	vst v63  }
0x3c: {  	v3 =	vld [tilespmem:s0+$0xFFFFFFF0];
	_ =	sdelay $0x4  }
0x3d: {  	v61 =	vshll.u32 v3, $0x3  }
0x3e: {  	v3 =	vand.u32 $0x7, v3;
	v4 =	vand.u32 $0xFFFFFFC0, v61  }
0x3f: {  	v3 =	vor.u32 v3, v4  }
0x40: {  	v4 =	vperm.xlane v3, v0;
	_ =	sdelay $0x1  }
0x41: {  	v4 =	vadd.s32 v1, v4;
	_ =	sdelay $0x3  }
0x42: {  	s4 =	rddreg [dreg:$0xc]  }
0x43: {  	[hbm4b:s3+s2] =	stream.indirect_vreg.scatter [tilespmem:s4], [sflag:$0x1], $0x80, v4, vm0, $0xb8;
	[tilespmem:$0x10200] =	vst v63  }
0x44: {  	s8 =	rddreg [dreg:$0xd];
	v3 =	vperm.xlane v3, v2  }
0x45: {  	[hbm4b:s5+s2] =	stream.indirect_vreg.scatter [tilespmem:s8], [sflag:$0x1], $0x80, v4, vm0, $0xb8;
	[tilespmem:$0x10200] =	vst v63  }
0x46: {  	v3 =	vadd.s32 v1, v3;
	s4 =	rddreg [dreg:$0xe]  }
0x47: {  	[hbm4b:s6+s2] =	stream.indirect_vreg.scatter [tilespmem:s4], [sflag:$0x1], $0x80, v4, vm0, $0xb8;
	[tilespmem:$0x10200] =	vst v63  }
0x48: {  	s8 =	rddreg [dreg:$0xf]  }
0x49: {  	[hbm4b:s7+s2] =	stream.indirect_vreg.scatter [tilespmem:s8], [sflag:$0x1], $0x80, v4, vm0, $0xb8;
	[tilespmem:$0x10200] =	vst v63  }
0x4a: {  	s4 =	rddreg [dreg:$0x10]  }
0x4b: {  	[hbm4b:s3+s2] =	stream.indirect_vreg.scatter [tilespmem:s4], [sflag:$0x1], $0x80, v3, vm0, $0xb8;
	[tilespmem:$0x10200] =	vst v63  }
0x4c: {  	s8 =	rddreg [dreg:$0x11]  }
0x4d: {  	[hbm4b:s5+s2] =	stream.indirect_vreg.scatter [tilespmem:s8], [sflag:$0x1], $0x80, v3, vm0, $0xb8;
	[tilespmem:$0x10200] =	vst v63  }
0x4e: {  	_ = 	snop  }
0x4f: {  	[hbm4b:s6+s2] =	stream.indirect_vreg.scatter [tilespmem:s11], [sflag:$0x1], $0x80, v3, vm0, $0xb8;
	[tilespmem:$0x10200] =	vst v63  }
0x50: {  	_ = 	snop  }
0x51: {  	[hbm4b:s7+s2] =	stream.indirect_vreg.scatter [tilespmem:s12], [sflag:$0x1], $0x80, v3, vm0, $0xb8;
	[tilespmem:$0x10200] =	vst v63  }
0x52: {  	v3 =	vld [tilespmem:s0+$0x0];
	_ =	sdelay $0x4  }
0x53: {  	v62 =	vshll.u32 v3, $0x3  }
0x54: {  	v3 =	vand.u32 $0x7, v3;
	v4 =	vand.u32 $0xFFFFFFC0, v62  }
0x55: {  	v3 =	vor.u32 v3, v4  }
0x56: {  	v4 =	vperm.xlane v3, v0;
	_ =	sdelay $0x1  }
0x57: {  	v4 =	vadd.s32 v1, v4;
	_ =	sdelay $0x4  }
0x58: {  	[hbm4b:s3+s2] =	stream.indirect_vreg.scatter [tilespmem:s13], [sflag:$0x1], $0x80, v4, vm0, $0xb8;
	[tilespmem:$0x10200] =	vst v63  }
0x59: {  	v3 =	vperm.xlane v3, v2  }
0x5a: {  	[hbm4b:s5+s2] =	stream.indirect_vreg.scatter [tilespmem:s14], [sflag:$0x1], $0x80, v4, vm0, $0xb8;
	[tilespmem:$0x10200] =	vst v63  }
0x5b: {  	v3 =	vadd.s32 v1, v3  }
0x5c: {  	[hbm4b:s6+s2] =	stream.indirect_vreg.scatter [tilespmem:s15], [sflag:$0x1], $0x80, v4, vm0, $0xb8;
	[tilespmem:$0x10200] =	vst v63  }
0x5d: {  	_ = 	snop  }
0x5e: {  	[hbm4b:s7+s2] =	stream.indirect_vreg.scatter [tilespmem:s16], [sflag:$0x1], $0x80, v4, vm0, $0xb8;
	[tilespmem:$0x10200] =	vst v63  }
0x5f: {  	_ = 	snop  }
0x60: {  	[hbm4b:s3+s2] =	stream.indirect_vreg.scatter [tilespmem:s17], [sflag:$0x1], $0x80, v3, vm0, $0xb8;
	[tilespmem:$0x10200] =	vst v63  }
0x61: {  	_ = 	snop  }
0x62: {  	[hbm4b:s5+s2] =	stream.indirect_vreg.scatter [tilespmem:s18], [sflag:$0x1], $0x80, v3, vm0, $0xb8;
	[tilespmem:$0x10200] =	vst v63  }
0x63: {  	_ = 	snop  }
0x64: {  	[hbm4b:s6+s2] =	stream.indirect_vreg.scatter [tilespmem:s19], [sflag:$0x1], $0x80, v3, vm0, $0xb8;
	[tilespmem:$0x10200] =	vst v63  }
0x65: {  	_ = 	snop  }
0x66: {  	[hbm4b:s7+s2] =	stream.indirect_vreg.scatter [tilespmem:s20], [sflag:$0x1], $0x80, v3, vm0, $0xb8;
	[tilespmem:$0x10200] =	vst v63  }
0x67: {  	v3 =	vld [tilespmem:s0+$0x10];
	_ =	sdelay $0x4  }
0x68: {  	v63 =	vshll.u32 v3, $0x3  }
0x69: {  	v3 =	vand.u32 $0x7, v3;
	v4 =	vand.u32 $0xFFFFFFC0, v63  }
0x6a: {  	v3 =	vor.u32 v3, v4  }
0x6b: {  	v4 =	vperm.xlane v3, v0;
	_ =	sdelay $0x1  }
0x6c: {  	v4 =	vadd.s32 v1, v4;
	_ =	sdelay $0x4  }
0x6d: {  	[hbm4b:s3+s2] =	stream.indirect_vreg.scatter [tilespmem:s21], [sflag:$0x1], $0x80, v4, vm0, $0xb8;
	[tilespmem:$0x10200] =	vst v63  }
0x6e: {  	v3 =	vperm.xlane v3, v2  }
0x6f: {  	[hbm4b:s5+s2] =	stream.indirect_vreg.scatter [tilespmem:s22], [sflag:$0x1], $0x80, v4, vm0, $0xb8;
	[tilespmem:$0x10200] =	vst v63  }
0x70: {  	v3 =	vadd.s32 v1, v3  }
0x71: {  	[hbm4b:s6+s2] =	stream.indirect_vreg.scatter [tilespmem:s23], [sflag:$0x1], $0x80, v4, vm0, $0xb8;
	[tilespmem:$0x10200] =	vst v63  }
0x72: {  	_ = 	snop  }
0x73: {  	[hbm4b:s7+s2] =	stream.indirect_vreg.scatter [tilespmem:s24], [sflag:$0x1], $0x80, v4, vm0, $0xb8;
	[tilespmem:$0x10200] =	vst v63  }
0x74: {  	_ = 	snop  }
0x75: {  	[hbm4b:s3+s2] =	stream.indirect_vreg.scatter [tilespmem:s25], [sflag:$0x1], $0x80, v3, vm0, $0xb8;
	[tilespmem:$0x10200] =	vst v63  }
0x76: {  	_ = 	snop  }
0x77: {  	[hbm4b:s5+s2] =	stream.indirect_vreg.scatter [tilespmem:s26], [sflag:$0x1], $0x80, v3, vm0, $0xb8;
	[tilespmem:$0x10200] =	vst v63  }
0x78: {  	p0 =	sne.s32 s1, $0x6000  }
0x79: {  	[hbm4b:s6+s2] =	stream.indirect_vreg.scatter [tilespmem:s28], [sflag:$0x1], $0x80, v3, vm0, $0xb8;
	[tilespmem:$0x10200] =	vst v63  }
.Ltmp0:
0x7a: {  	_ = 	snop;
	(pc) =	sbr.rel @p0 .LBB2_2-.Ltmp0, $4  }
0x7b: {  	[hbm4b:s7+s2] =	stream.indirect_vreg.scatter [tilespmem:s29], [sflag:$0x1], $0x80, v3, vm0, $0xb8;
	[tilespmem:$0x10200] =	vst v63  }
0x7c: {  	_ =	swait.ge [sflag:s30], $0x10000  }
0x7d: {  	[sflag:s30] =	ssyncset.done $0x0  }
0x7e: {  	s1 =	sadd.s32 $0x2000, s1;
	s0 =	sadd.s32 $0x80, s0;
	[sflag:s30] =	ssyncadd.s32 $0xFFFF0000  }
0x7f: {  	s31 =	sadd.s32 $0x1, s31;
	s0 =	rddreg [dreg:$0x13]  }
0x80: {  	p0 =	sne.s32 s31, s0  }
.Ltmp1:
0x81: {  	_ = 	snop;
	(pc) =	sbr.rel @p0 .LBB2_1-.Ltmp1, $1  }
0x82: {  	_ =	sdelay $0x3  }
0x83: {  	_ =	sfence.sel $0x180000  }
0x84: {  	[bflag:$0x0] =	sbarrier.arrive $0xFFFF  }
0x85: {  	_ =	strace $0x90000047  }
0x86: {  	s0 =	stileid.u32;
	[bflag:$0x2] =	sbarrier.arrive $0xFFFF  }
0x87: {  	p0 =	sne.s32 s0, $0x0;
	s0 =	rddreg [dreg:$0x3]  }
0x88: {  	s0 =	sadd.s32 @!p0 $0x100000, s0  }
0x89: {  	[sflag:s0] =	ssyncadd.tile.s32 @!p0 $0x1;
	_ =	shalt  }
.Lfunc_end2:
_tile_overlayer_lowered:
.L_overlay_start_2:
0x8a: {  	(tag) =	ssettag $0x2  }
0x8b: {  	s0 =	rddreg [dreg:$0x0];
	s2 =	stileid.u32  }
0x8c: {  	s1 =	rddreg [dreg:$0x1];
	p0 =	sne.s32 s2, $0x0  }
0x8d: {  	s3 =	rddreg [dreg:$0x2];
	[bflag:$0x3] =	sbarrier.arrive $0xFFFF;
	s2 =	simm.s32 @!p0 $0x1C02  }
0x8e: {  	[timem:s3], [sflag:s2] =	dma.local @!p0 [hbm:s0], s1  }
0x8f: {  	s0 =	simm.s32 @!p0 $0x2  }
0x90: {  	_ =	swait.ge @!p0 [sflag:s0], s1  }
0x91: {  	s1 =	ssub.s32 @!p0 $0x0, s1;
	[sflag:s0] =	ssyncset.done @!p0 $0x0  }
0x92: {  	[sflag:s0] =	ssyncadd.s32 @!p0 s1  }
0x93: {  	[bflag:$0x3] =	sbarrier.arrive $0xFFFF  }
0x94: {  	_ =	shalt  }

// kernel: kernel.8.cloned.1.call-start
scs
__scs_entry_jumppad:
0x0: {  	(pc) =	sbr.rel $0x88, $3  }
0x1: {  	(tag) =	ssettag $0x0;
	lr =	simm.s32 $0x1  }
0x2: {  	[smem:$0x3F9D] =	sst lr;
	_ =	strace $0xD0000000  }
0x3: {  	_ = 	snop  }
0x4: {  	_ = 	snop  }
0x5: {  	_ = 	snop  }
0x6: {  	_ = 	snop  }
0x7: {  	_ = 	snop  }
__scs_overlays_trampoline_lowered:
0x8: {  	[smem:$0x3FAC] =	sst s0  }
0x9: {  	[smem:$0x3FAD] =	sst s1  }
0xa: {  	[smem:$0x3FAE] =	sst s2  }
0xb: {  	[smem:$0x3FAF] =	sst s3  }
0xc: {  	[smem:$0x3FB0] =	sst s4  }
0xd: {  	[smem:$0x3FB1] =	sst s5  }
0xe: {  	[smem:$0x3FB2] =	sst s6  }
0xf: {  	[smem:$0x3FB3] =	sst s7  }
0x10: {  	[smem:$0x3FB4] =	sst s8  }
0x11: {  	[smem:$0x3FB5] =	sst s9;
	s0 =	simm.s32 @!p0 $0x0  }
0x12: {  	s1 =	sld [smem:$0x3F9B];
	s0 =	simm.s32 @p0 $0x1  }
0x13: {  	[smem:$0x3FB6] =	sst s0;
	s0 =	simm.s32 @!p1 $0x0  }
0x14: {  	s2 =	sld [smem:$0x3F9A];
	s0 =	simm.s32 @p1 $0x1  }
0x15: {  	[smem:$0x3FB7] =	sst s0;
	s0 =	simm.s32 @!p2 $0x0  }
0x16: {  	s3 =	sld [smem:$0x3FDB];
	s0 =	simm.s32 @p2 $0x1  }
0x17: {  	s4 =	simm.s32 $0x1BF5;
	[smem:$0x3FB9] =	sst s0  }
0x18: {  	s0 =	sld [smem:$0x3F9C];
	_ =	swait.ge [sflag:s4], $0x0  }
0x19: {  	s7 =	sld [smem:$0x3F9D]  }
0x1a: {  	s8 =	sadd.s32 $0xFFFFE003, lr  }
0x1b: {  	s9 =	sadd.s32 $0xFFFFFEF7, lr;
	s5 =	simm.s32 $0xFFFFFFFF;
	p2 =	slt.u32 s8, $0xFFFFF086  }
0x1c: {  	p1 =	slt.u32 s9, $0xF7A;
	s5 =	simm.s32 @!p2 $0x0  }
0x1d: {  	s5 =	simm.s32 @p1 $0x1;
	p0 =	seq.s32 s7, s2  }
0x1e: {  	s7 =	smul.u32 @!p0 $0xF7A, s2;
	p2 =	seq.s32 @!p0 s5, $0x0  }
0x1f: {  	s9 =	smul.u32 $0xF7A, s1;
	s8 =	simm.s32 @!p0 $0x1BF5;
	p2 =	por !p2, p0  }
0x20: {  	[sflag:s8] =	ssyncset.s32 @!p0 $0xFFFFF086;
	s6 =	sadd.s32 @!p0 s3, s7;
	s7 =	simm.s32 @!p0 $0x108  }
0x21: {  	s3 =	sadd.s32 s3, s9;
	s6 =	sadd.s32 @!p0 $0x88, s6;
	s7 =	simm.s32 @p2 $0x1082  }
0x22: {  	[simem:s7], [sflag:s8] =	dma.local @!p0 [hbm:s6], $0xF7A  }
0x23: {  	s9 =	sor.u32 $0xD0000000, s2;
	s6 =	simm.s32 $0x108;
	_ =	swait.ge @!p0 [sflag:s8], $0x0  }
0x24: {  	s3 =	sadd.s32 $0x88, s3;
	s6 =	simm.s32 @!p1 $0x1082;
	[sflag:s4] =	ssyncset.s32 $0xFFFFF086  }
0x25: {  	[simem:s6], [sflag:s4] =	dma.local [hbm:s3], $0xF7A  }
0x26: {  	[smem:$0x3F9D] =	sst s1;
	(tag) =	ssettag s2;
	_ =	strace s9  }
0x27: {  	s1 =	sld [smem:$0x3FAD]  }
0x28: {  	s2 =	sld [smem:$0x3FAE]  }
0x29: {  	s4 =	sld [smem:$0x3FB0]  }
0x2a: {  	p0 =	seq.s32 s5, $0x0;
	s5 =	sld [smem:$0x3FB1]  }
0x2b: {  	s6 =	sld [smem:$0x3FB2]  }
0x2c: {  	s7 =	sld [smem:$0x3FB3]  }
0x2d: {  	s3 =	simm.s32 $0x108;
	s8 =	sld [smem:$0x3FB4]  }
0x2e: {  	s3 =	simm.s32 @!p0 $0x1082;
	s9 =	sld [smem:$0x3FB5]  }
0x2f: {  	lr =	sadd.s32 s0, s3;
	s0 =	sld [smem:$0x3FAC]  }
0x30: {  	s3 =	sld [smem:$0x3FAF]  }
0x31: {  	[smem:$0x3FB8] =	sst s10  }
0x32: {  	s10 =	sld [smem:$0x3FB6];
	_ =	sdelay $0x3  }
0x33: {  	p0 =	seq.s32 s10, $0x1;
	s10 =	sld [smem:$0x3FB8];
	_ =	sdelay $0x3  }
0x34: {  	[smem:$0x3FB8] =	sst s10  }
0x35: {  	s10 =	sld [smem:$0x3FB7];
	_ =	sdelay $0x3  }
0x36: {  	p1 =	seq.s32 s10, $0x1;
	s10 =	sld [smem:$0x3FB8];
	_ =	sdelay $0x3  }
0x37: {  	[smem:$0x3FB8] =	sst s10  }
0x38: {  	s10 =	sld [smem:$0x3FB9]  }
0x39: {  	_ = 	snop;
	(pc) =	sbr.ind lr, $3  }
0x3a: {  	_ = 	snop  }
0x3b: {  	_ = 	snop  }
0x3c: {  	p2 =	seq.s32 s10, $0x1;
	s10 =	sld [smem:$0x3FB8]  }
0x3d: {  	_ =	shalt  }
0x3e: {  	_ =	shalt  }
0x3f: {  	_ =	shalt  }
0x40: {  	_ =	shalt  }
0x41: {  	_ =	shalt  }
0x42: {  	_ =	shalt  }
0x43: {  	_ =	shalt  }
0x44: {  	_ =	shalt  }
0x45: {  	_ =	shalt  }
0x46: {  	_ =	shalt  }
0x47: {  	_ =	shalt  }
0x48: {  	_ =	shalt  }
0x49: {  	_ =	shalt  }
0x4a: {  	_ =	shalt  }
0x4b: {  	_ =	shalt  }
0x4c: {  	_ =	shalt  }
0x4d: {  	_ =	shalt  }
0x4e: {  	_ =	shalt  }
0x4f: {  	_ =	shalt  }
0x50: {  	_ =	shalt  }
0x51: {  	_ =	shalt  }
0x52: {  	_ =	shalt  }
0x53: {  	_ =	shalt  }
0x54: {  	_ =	shalt  }
0x55: {  	_ =	shalt  }
0x56: {  	_ =	shalt  }
0x57: {  	_ =	shalt  }
0x58: {  	_ =	shalt  }
0x59: {  	_ =	shalt  }
0x5a: {  	_ =	shalt  }
0x5b: {  	_ =	shalt  }
0x5c: {  	_ =	shalt  }
0x5d: {  	_ =	shalt  }
0x5e: {  	_ =	shalt  }
0x5f: {  	_ =	shalt  }
0x60: {  	_ =	shalt  }
0x61: {  	_ =	shalt  }
0x62: {  	_ =	shalt  }
0x63: {  	_ =	shalt  }
0x64: {  	_ =	shalt  }
0x65: {  	_ =	shalt  }
0x66: {  	_ =	shalt  }
0x67: {  	_ =	shalt  }
0x68: {  	_ =	shalt  }
0x69: {  	_ =	shalt  }
0x6a: {  	_ =	shalt  }
0x6b: {  	_ =	shalt  }
0x6c: {  	_ =	shalt  }
0x6d: {  	_ =	shalt  }
0x6e: {  	_ =	shalt  }
0x6f: {  	_ =	shalt  }
0x70: {  	_ =	shalt  }
0x71: {  	_ =	shalt  }
0x72: {  	_ =	shalt  }
0x73: {  	_ =	shalt  }
0x74: {  	_ =	shalt  }
0x75: {  	_ =	shalt  }
0x76: {  	_ =	shalt  }
0x77: {  	_ =	shalt  }
0x78: {  	_ =	shalt  }
0x79: {  	_ =	shalt  }
0x7a: {  	_ =	shalt  }
0x7b: {  	_ =	shalt  }
0x7c: {  	_ =	shalt  }
0x7d: {  	_ =	shalt  }
0x7e: {  	_ =	shalt  }
0x7f: {  	_ =	shalt  }
0x80: {  	_ =	shalt  }
0x81: {  	_ =	shalt  }
0x82: {  	_ =	shalt  }
0x83: {  	_ =	shalt  }
0x84: {  	_ =	shalt  }
0x85: {  	_ =	shalt  }
0x86: {  	_ =	shalt  }
0x87: {  	_ =	shalt  }
.Lfunc_end0:
.L_simem_size_0:
called_computation.1_lowered:
.L_overlay_start_0:
0x88: {  	s2 =	sld [smem:$0x3FD9]  }
0x89: {  	s3 =	sld [smem:$0x3FFE];
	_ =	sdelay $0x1  }
0x8a: {  	s1 =	srdreg.scid  }
0x8b: {  	s0 =	sand.u32 $0x1, s1  }
0x8c: {  	s17 =	sshll.u32 s0, $0xA;
	s2 =	sadd.s32 s3, s2  }
0x8d: {  	s2 =	sadd.s32 s2, s17  }
0x8e: {  	[smem:$0x3FC4] =	sst s2  }
0x8f: {  	_ = 	snop  }
0x90: {  	s2 =	sld [smem:$0x3FD0];
	(tm) =	ssettm $0x1  }
0x91: {  	s18 =	sld [smem:$0x3FFB];
	_ =	sdelay $0x3  }
0x92: {  	_ =	strace s18  }
0x93: {  	s3 =	sld [smem:$0x3FFC];
	_ =	sdelay $0x3  }
0x94: {  	_ =	strace s3  }
0x95: {  	s3 =	sld [smem:$0x3FFD];
	_ =	sdelay $0x3  }
0x96: {  	_ =	strace s3  }
0x97: {  	_ =	strace $0x8FFFFFFF  }
0x98: {  	s19 =	sld [smem:$0x3FDB];
	_ =	sdelay $0x1  }
0x99: {  	s4 =	simm.s32 $_scs_section_size  }
0x9a: {  	s5 =	simm.s32 $_size__tile_overlayer_lowered;
	s6 =	simm.s32 $_tile_overlayer_lowered  }
0x9b: {  	s22 =	simm.s32 $0x1BFF;
	s21 =	sshll.u32 s6, $0x1;
	s3 =	sadd.s32 s4, s19  }
0x9c: {  	s7 =	simm.s32 $0x0;
	s20 =	sshll.u32 s5, $0x1;
	s5 =	sadd.s32 s21, s3  }
0x9d: {  	[timem:s7], [sflag:s22] =	dma.local [hbm:s5], s20  }
0x9e: {  	_ =	swait.ge [sflag:s22], s20  }
0x9f: {  	s4 =	ssub.s32 $0x0, s20;
	[sflag:s22] =	ssyncset.done $0x0  }
0xa0: {  	[sflag:s22] =	ssyncadd.s32 s4;
	_ =	sdelay $0x1  }
0xa1: {  	s23 =	simm.s32 $0x1B8B  }
0xa2: {  	_ =	swait.ge [sflag:s23], $0x1  }
0xa3: {  	[sflag:s23] =	ssyncset.done $0x0  }
0xa4: {  	s25 =	simm.s32 $0x1B8E;
	s24 =	sld [smem:$0x3FFE];
	[sflag:s23] =	ssyncadd.s32 $0xFFFFFFFF  }
0xa5: {  	s26 =	simm.s32 $execute0_lowered;
	[smem:$0x3FD2] =	sst s25  }
0xa6: {  	s5 =	sshll.u32 s26, $0x1;
	_ =	strace $0x80000049;
	[dreg:$0x1] =	wrdreg $0xFFFFFFFF  }
0xa7: {  	s28 =	simm.s32 $_size_execute0_lowered;
	s3 =	sadd.s32 s3, s5;
	[dreg:$0x0] =	wrdreg $0x0  }
0xa8: {  	s5 =	sshll.u32 s28, $0x1;
	[dreg:$0x2] =	wrdreg s3  }
0xa9: {  	[dreg:$0x3] =	wrdreg s5  }
0xaa: {  	[dreg:$0x4] =	wrdreg $0xC0  }
0xab: {  	_ =	task [dreg:s7], $0x5FFFF  }
0xac: {  	[dreg:$0x1] =	wrdreg $0xFFFFFFFF  }
0xad: {  	[dreg:$0x0] =	wrdreg $0x60  }
0xae: {  	[dreg:$0x2] =	wrdreg s24  }
0xaf: {  	[dreg:$0x3] =	wrdreg s2  }
0xb0: {  	[dreg:$0x4] =	wrdreg $0x9  }
0xb1: {  	_ =	task.clear_ibuf [dreg:s7], $0x5FFFF;
	_ =	strace $0x90000049  }
0xb2: {  	s29 =	simm.s32 $0x9;
	_ =	strace $0x8000004B  }
0xb3: {  	_ =	swait.ge [sflag:s29], $0x1  }
0xb4: {  	[sflag:s29] =	ssyncadd.s32 $0xFFFFFFFF  }
0xb5: {  	_ =	strace $0x9000004B  }
0xb6: {  	_ =	sfence  }
0xb7: {  	s30 =	sld [smem:$0x0];
	_ =	sdelay $0x2  }
0xb8: {  	s31 =	sshll.u32 s1, $0xD;
	s1 =	sshrl.u32 s1, $0x2  }
0xb9: {  	s3 =	sand.u32 $0x4000, s31;
	s1 =	sadd.s32 s1, s30  }
0xba: {  	s0 =	sor.u32 s3, s0;
	s1 =	sshll.u32 s1, $0x11  }
0xbb: {  	s0 =	sor.u32 s1, s0  }
0xbc: {  	s0 =	sadd.s32 $0x8F2B, s0  }
0xbd: {  	[sflag:s0] =	ssyncadd.remote.s32 $0x1  }
0xbe: {  	_ =	sfence.sel $0xFFFF  }
0xbf: {  	[dreg:$0x0] =	wrdreg $0xFFFFFFFF;
	(pc) =	sbr.abs _section_cstart, $3  }
0xc0: {  	[dreg:$0x1] =	wrdreg $0xFFFFFFFF  }
0xc1: {  	_ =	task.clear_ibuf [dreg:s7], $0x2FFFF;
	_ =	strace $0x9FFFFFFF  }
0xc2: {  	(tm) =	ssettm $0x7FFFFFFF  }
0xc3: {  	_ =	shalt  }
tec
execute0_lowered:
.L_overlay_start_1:
0x0: {  	(tag) =	ssettag $0x1  }
0x1: {  	s0 =	srdreg.scid;
	s1 =	rddreg [dreg:$0x0]  }
0x2: {  	s10 =	stileid.u32;
	s8 =	rddreg [dreg:$0x1]  }
0x3: {  	s2 =	simm.s32 $0x0;
	s14 =	simm.s32 $0x880;
	s15 =	simm.s32 $0x1080  }
0x4: {  	s16 =	simm.s32 $0x1880;
	s17 =	simm.s32 $0x2080;
	[smem:$0x7FF] =	sst s2  }
0x5: {  	s9 =	simm.s32 $0x2880;
	_ =	strace $0x8000004A;
	[dreg:$0x4] =	wrdreg s14  }
0x6: {  	s18 =	simm.s32 $0x3080;
	s19 =	simm.s32 $0x3880;
	[dreg:$0x5] =	wrdreg s15  }
0x7: {  	s21 =	simm.s32 $0x4080;
	s22 =	simm.s32 $0x4880;
	[dreg:$0x6] =	wrdreg s16  }
0x8: {  	s23 =	simm.s32 $0x5080;
	s24 =	simm.s32 $0x5880;
	[dreg:$0x7] =	wrdreg s17  }
0x9: {  	s25 =	simm.s32 $0x6080;
	s26 =	simm.s32 $0x6880;
	[dreg:$0x8] =	wrdreg s9  }
0xa: {  	s11 =	simm.s32 $0x7080;
	s12 =	simm.s32 $0x7880;
	[dreg:$0x9] =	wrdreg s18  }
0xb: {  	s13 =	simm.s32 $0x8080;
	s28 =	simm.s32 $0xF080;
	[dreg:$0xa] =	wrdreg s19  }
0xc: {  	s29 =	simm.s32 $0xF880;
	s30 =	simm.s32 $0x1;
	[dreg:$0xb] =	wrdreg s21  }
0xd: {  	s31 =	simm.s32 $0x0;
	s0 =	sand.u32 $0x1, s0;
	[dreg:$0xc] =	wrdreg s22  }
0xe: {  	s3 =	sshll.u32 s10, $0x9;
	s20 =	sshll.u32 s10, $0x10;
	[dreg:$0xd] =	wrdreg s23  }
0xf: {  	s10 =	simm.s32 $0x80;
	s4 =	sshll.u32 s0, $0x8;
	[dreg:$0xe] =	wrdreg s24  }
0x10: {  	s5 =	ssub.s32 $0x2, s0;
	s8 =	sadd.s32 s20, s8;
	[dreg:$0xf] =	wrdreg s25  }
0x11: {  	s0 =	sshll.u32 s0, $0xF;
	s9 =	simm.s32 $0x2;
	[dreg:$0x10] =	wrdreg s26  }
0x12: {  	s14 =	simm.s32 $0x8880;
	s15 =	simm.s32 $0x9080;
	s16 =	simm.s32 $0x9880  }
0x13: {  	s17 =	simm.s32 $0xA080;
	s18 =	simm.s32 $0xA880;
	s19 =	simm.s32 $0xB080  }
0x14: {  	s20 =	simm.s32 $0xB880;
	s21 =	simm.s32 $0xC080;
	s22 =	simm.s32 $0xC880  }
0x15: {  	s23 =	simm.s32 $0xD080;
	s24 =	simm.s32 $0xD880;
	s25 =	simm.s32 $0xE080  }
0x16: {  	s26 =	simm.s32 $0xE880;
	s3 =	sor.u32 s4, s3;
	s6 =	sshrl.u32 s5, $0x1  }
0x17: {  	s0 =	sadd.s32 s0, s8;
	s4 =	sshrl.u32 s3, $0x3;
	s3 =	sadd.s32 $0x21C600, s1  }
0x18: {  	v2 =	vlaneseq.u32;
	s7 =	ssub.s32 s5, s6;
	[dreg:$0x12] =	wrdreg s0;
	s4 =	sadd.s32 s4, s1  }
0x19: {  	vm0 =	vmmov $0xffff;
	v1 =	vshrl.u32 v2, $0x3;
	s5 =	sadd.s32 $0x21C800, s1;
	s7 =	smax.u32 s7, $0x1;
	[dreg:$0x3] =	wrdreg s4  }
0x1a: {  	v0 =	vand.u32 $0x7, v2;
	v2 =	vor.u32 $0x8, v2;
	v1 =	vmul.u32 $0x8, v1;
	s6 =	sadd.s32 $0x21C900, s1;
	s4 =	sadd.s32 $0x21C700, s1;
	[dreg:$0x11] =	wrdreg s7  }
.LBB2_1:
0x1b: {  	s8 =	rddreg [dreg:$0x12];
	s0 =	simm.s32 $0x0  }
.LBB2_2:
0x1c: {  	s7 =	rddreg [dreg:$0x3]  }
0x1d: {  	s7 =	sadd.s32 s0, s7  }
0x1e: {  	[tilespmem:s2], [sflag:$0x2] =	stream.linear.gather [hbm4b:s7+s2], $0x40, $0x38;
	[tilespmem:$0x10080] =	vst v63  }
0x1f: {  	_ =	swait.ge [sflag:s9], $0x40  }
0x20: {  	[sflag:s9] =	ssyncset.done $0x0  }
0x21: {  	[sflag:s9] =	ssyncadd.s32 $0xFFFFFFC0  }
0x22: {  	v3 =	vld [tilespmem:$0x0];
	_ =	sdelay $0x4  }
0x23: {  	v4 =	vshll.u32 v3, $0x3  }
0x24: {  	v3 =	vand.u32 $0x7, v3;
	v4 =	vand.u32 $0xFFFFFFC0, v4  }
0x25: {  	v3 =	vor.u32 v3, v4  }
0x26: {  	v4 =	vperm.xlane v3, v0;
	_ =	sdelay $0x1  }
0x27: {  	v4 =	vadd.s32 v1, v4;
	_ =	sdelay $0x4  }
0x28: {  	[tilespmem:s10], [sflag:$0x1] =	stream.indirect_vreg.gather [hbm4b:s3+s2], $0x80, v4, vm0, $0xb8;
	[tilespmem:$0x10080] =	vst v63  }
0x29: {  	s7 =	rddreg [dreg:$0x4];
	v3 =	vperm.xlane v3, v2  }
0x2a: {  	[tilespmem:s7], [sflag:$0x1] =	stream.indirect_vreg.gather [hbm4b:s4+s2], $0x80, v4, vm0, $0xb8;
	[tilespmem:$0x10080] =	vst v63  }
0x2b: {  	s1 =	rddreg [dreg:$0x5];
	v3 =	vadd.s32 v1, v3  }
0x2c: {  	[tilespmem:s1], [sflag:$0x1] =	stream.indirect_vreg.gather [hbm4b:s5+s2], $0x80, v4, vm0, $0xb8;
	[tilespmem:$0x10080] =	vst v63  }
0x2d: {  	s7 =	rddreg [dreg:$0x6]  }
0x2e: {  	[tilespmem:s7], [sflag:$0x1] =	stream.indirect_vreg.gather [hbm4b:s6+s2], $0x80, v4, vm0, $0xb8;
	[tilespmem:$0x10080] =	vst v63  }
0x2f: {  	s1 =	rddreg [dreg:$0x7]  }
0x30: {  	[tilespmem:s1], [sflag:$0x1] =	stream.indirect_vreg.gather [hbm4b:s3+s2], $0x80, v3, vm0, $0xb8;
	[tilespmem:$0x10080] =	vst v63  }
0x31: {  	s7 =	rddreg [dreg:$0x8]  }
0x32: {  	[tilespmem:s7], [sflag:$0x1] =	stream.indirect_vreg.gather [hbm4b:s4+s2], $0x80, v3, vm0, $0xb8;
	[tilespmem:$0x10080] =	vst v63  }
0x33: {  	s1 =	rddreg [dreg:$0x9]  }
0x34: {  	[tilespmem:s1], [sflag:$0x1] =	stream.indirect_vreg.gather [hbm4b:s5+s2], $0x80, v3, vm0, $0xb8;
	[tilespmem:$0x10080] =	vst v63  }
0x35: {  	s7 =	rddreg [dreg:$0xa]  }
0x36: {  	[tilespmem:s7], [sflag:$0x1] =	stream.indirect_vreg.gather [hbm4b:s6+s2], $0x80, v3, vm0, $0xb8;
	[tilespmem:$0x10080] =	vst v63  }
0x37: {  	v3 =	vld [tilespmem:$0x10];
	_ =	sdelay $0x4  }
0x38: {  	v61 =	vshll.u32 v3, $0x3  }
0x39: {  	v3 =	vand.u32 $0x7, v3;
	v4 =	vand.u32 $0xFFFFFFC0, v61  }
0x3a: {  	v3 =	vor.u32 v3, v4  }
0x3b: {  	v4 =	vperm.xlane v3, v0;
	_ =	sdelay $0x1  }
0x3c: {  	v4 =	vadd.s32 v1, v4;
	_ =	sdelay $0x3  }
0x3d: {  	s1 =	rddreg [dreg:$0xb]  }
0x3e: {  	[tilespmem:s1], [sflag:$0x1] =	stream.indirect_vreg.gather [hbm4b:s3+s2], $0x80, v4, vm0, $0xb8;
	[tilespmem:$0x10080] =	vst v63  }
0x3f: {  	s7 =	rddreg [dreg:$0xc];
	v3 =	vperm.xlane v3, v2  }
0x40: {  	[tilespmem:s7], [sflag:$0x1] =	stream.indirect_vreg.gather [hbm4b:s4+s2], $0x80, v4, vm0, $0xb8;
	[tilespmem:$0x10080] =	vst v63  }
0x41: {  	v3 =	vadd.s32 v1, v3;
	s1 =	rddreg [dreg:$0xd]  }
0x42: {  	[tilespmem:s1], [sflag:$0x1] =	stream.indirect_vreg.gather [hbm4b:s5+s2], $0x80, v4, vm0, $0xb8;
	[tilespmem:$0x10080] =	vst v63  }
0x43: {  	s7 =	rddreg [dreg:$0xe]  }
0x44: {  	[tilespmem:s7], [sflag:$0x1] =	stream.indirect_vreg.gather [hbm4b:s6+s2], $0x80, v4, vm0, $0xb8;
	[tilespmem:$0x10080] =	vst v63  }
0x45: {  	s1 =	rddreg [dreg:$0xf]  }
0x46: {  	[tilespmem:s1], [sflag:$0x1] =	stream.indirect_vreg.gather [hbm4b:s3+s2], $0x80, v3, vm0, $0xb8;
	[tilespmem:$0x10080] =	vst v63  }
0x47: {  	s7 =	rddreg [dreg:$0x10]  }
0x48: {  	[tilespmem:s7], [sflag:$0x1] =	stream.indirect_vreg.gather [hbm4b:s4+s2], $0x80, v3, vm0, $0xb8;
	[tilespmem:$0x10080] =	vst v63  }
0x49: {  	_ = 	snop  }
0x4a: {  	[tilespmem:s11], [sflag:$0x1] =	stream.indirect_vreg.gather [hbm4b:s5+s2], $0x80, v3, vm0, $0xb8;
	[tilespmem:$0x10080] =	vst v63  }
0x4b: {  	_ = 	snop  }
0x4c: {  	[tilespmem:s12], [sflag:$0x1] =	stream.indirect_vreg.gather [hbm4b:s6+s2], $0x80, v3, vm0, $0xb8;
	[tilespmem:$0x10080] =	vst v63  }
0x4d: {  	v3 =	vld [tilespmem:$0x20];
	_ =	sdelay $0x4  }
0x4e: {  	v62 =	vshll.u32 v3, $0x3  }
0x4f: {  	v3 =	vand.u32 $0x7, v3;
	v4 =	vand.u32 $0xFFFFFFC0, v62  }
0x50: {  	v3 =	vor.u32 v3, v4  }
0x51: {  	v4 =	vperm.xlane v3, v0;
	_ =	sdelay $0x1  }
0x52: {  	v4 =	vadd.s32 v1, v4;
	_ =	sdelay $0x4  }
0x53: {  	[tilespmem:s13], [sflag:$0x1] =	stream.indirect_vreg.gather [hbm4b:s3+s2], $0x80, v4, vm0, $0xb8;
	[tilespmem:$0x10080] =	vst v63  }
0x54: {  	v3 =	vperm.xlane v3, v2  }
0x55: {  	[tilespmem:s14], [sflag:$0x1] =	stream.indirect_vreg.gather [hbm4b:s4+s2], $0x80, v4, vm0, $0xb8;
	[tilespmem:$0x10080] =	vst v63  }
0x56: {  	v3 =	vadd.s32 v1, v3  }
0x57: {  	[tilespmem:s15], [sflag:$0x1] =	stream.indirect_vreg.gather [hbm4b:s5+s2], $0x80, v4, vm0, $0xb8;
	[tilespmem:$0x10080] =	vst v63  }
0x58: {  	_ = 	snop  }
0x59: {  	[tilespmem:s16], [sflag:$0x1] =	stream.indirect_vreg.gather [hbm4b:s6+s2], $0x80, v4, vm0, $0xb8;
	[tilespmem:$0x10080] =	vst v63  }
0x5a: {  	_ = 	snop  }
0x5b: {  	[tilespmem:s17], [sflag:$0x1] =	stream.indirect_vreg.gather [hbm4b:s3+s2], $0x80, v3, vm0, $0xb8;
	[tilespmem:$0x10080] =	vst v63  }
0x5c: {  	_ = 	snop  }
0x5d: {  	[tilespmem:s18], [sflag:$0x1] =	stream.indirect_vreg.gather [hbm4b:s4+s2], $0x80, v3, vm0, $0xb8;
	[tilespmem:$0x10080] =	vst v63  }
0x5e: {  	_ = 	snop  }
0x5f: {  	[tilespmem:s19], [sflag:$0x1] =	stream.indirect_vreg.gather [hbm4b:s5+s2], $0x80, v3, vm0, $0xb8;
	[tilespmem:$0x10080] =	vst v63  }
0x60: {  	_ = 	snop  }
0x61: {  	[tilespmem:s20], [sflag:$0x1] =	stream.indirect_vreg.gather [hbm4b:s6+s2], $0x80, v3, vm0, $0xb8;
	[tilespmem:$0x10080] =	vst v63  }
0x62: {  	v3 =	vld [tilespmem:$0x30];
	_ =	sdelay $0x4  }
0x63: {  	v63 =	vshll.u32 v3, $0x3  }
0x64: {  	v3 =	vand.u32 $0x7, v3;
	v4 =	vand.u32 $0xFFFFFFC0, v63  }
0x65: {  	v3 =	vor.u32 v3, v4  }
0x66: {  	v4 =	vperm.xlane v3, v0;
	_ =	sdelay $0x1  }
0x67: {  	v4 =	vadd.s32 v1, v4;
	_ =	sdelay $0x4  }
0x68: {  	[tilespmem:s21], [sflag:$0x1] =	stream.indirect_vreg.gather [hbm4b:s3+s2], $0x80, v4, vm0, $0xb8;
	[tilespmem:$0x10080] =	vst v63  }
0x69: {  	v3 =	vperm.xlane v3, v2  }
0x6a: {  	[tilespmem:s22], [sflag:$0x1] =	stream.indirect_vreg.gather [hbm4b:s4+s2], $0x80, v4, vm0, $0xb8;
	[tilespmem:$0x10080] =	vst v63  }
0x6b: {  	v3 =	vadd.s32 v1, v3  }
0x6c: {  	[tilespmem:s23], [sflag:$0x1] =	stream.indirect_vreg.gather [hbm4b:s5+s2], $0x80, v4, vm0, $0xb8;
	[tilespmem:$0x10080] =	vst v63  }
0x6d: {  	_ = 	snop  }
0x6e: {  	[tilespmem:s24], [sflag:$0x1] =	stream.indirect_vreg.gather [hbm4b:s6+s2], $0x80, v4, vm0, $0xb8;
	[tilespmem:$0x10080] =	vst v63  }
0x6f: {  	_ = 	snop  }
0x70: {  	[tilespmem:s25], [sflag:$0x1] =	stream.indirect_vreg.gather [hbm4b:s3+s2], $0x80, v3, vm0, $0xb8;
	[tilespmem:$0x10080] =	vst v63  }
0x71: {  	_ = 	snop  }
0x72: {  	[tilespmem:s26], [sflag:$0x1] =	stream.indirect_vreg.gather [hbm4b:s4+s2], $0x80, v3, vm0, $0xb8;
	[tilespmem:$0x10080] =	vst v63  }
0x73: {  	_ = 	snop  }
0x74: {  	[tilespmem:s28], [sflag:$0x1] =	stream.indirect_vreg.gather [hbm4b:s5+s2], $0x80, v3, vm0, $0xb8;
	[tilespmem:$0x10080] =	vst v63  }
0x75: {  	_ = 	snop  }
0x76: {  	[tilespmem:s29], [sflag:$0x1] =	stream.indirect_vreg.gather [hbm4b:s6+s2], $0x80, v3, vm0, $0xb8;
	[tilespmem:$0x10080] =	vst v63  }
0x77: {  	_ =	swait.ge [sflag:s30], $0x10000  }
0x78: {  	p0 =	sne.s32 s0, $0x18;
	[sflag:s30] =	ssyncset.done $0x0  }
.Ltmp0:
0x79: {  	[sflag:s30] =	ssyncadd.s32 $0xFFFF0000;
	(pc) =	sbr.rel @p0 .LBB2_2-.Ltmp0, $4  }
0x7a: {  	[hbm4b:s8+s2] =	stream.linear.scatter [tilespmem:s10], [sflag:$0x2], $0x10000, $0x38;
	[tilespmem:$0x10080] =	vst v63  }
0x7b: {  	_ =	swait.ge [sflag:s9], $0x10000  }
0x7c: {  	[sflag:s9] =	ssyncset.done $0x0  }
0x7d: {  	s0 =	sadd.s32 $0x8, s0;
	s8 =	sadd.s32 $0x2000, s8;
	[sflag:s9] =	ssyncadd.s32 $0xFFFF0000  }
0x7e: {  	s31 =	sadd.s32 $0x1, s31;
	s0 =	rddreg [dreg:$0x11]  }
0x7f: {  	p0 =	sne.s32 s31, s0  }
.Ltmp1:
0x80: {  	_ = 	snop;
	(pc) =	sbr.rel @p0 .LBB2_1-.Ltmp1, $1  }
0x81: {  	_ =	sdelay $0x3  }
0x82: {  	_ =	sfence.sel $0x180000  }
0x83: {  	[bflag:$0x0] =	sbarrier.arrive $0xFFFF  }
0x84: {  	_ =	strace $0x9000004A  }
0x85: {  	s0 =	stileid.u32;
	[bflag:$0x2] =	sbarrier.arrive $0xFFFF  }
0x86: {  	p0 =	sne.s32 s0, $0x0;
	s0 =	rddreg [dreg:$0x2]  }
0x87: {  	s0 =	sadd.s32 @!p0 $0x100000, s0  }
0x88: {  	[sflag:s0] =	ssyncadd.tile.s32 @!p0 $0x1;
	_ =	shalt  }
.Lfunc_end2:
_tile_overlayer_lowered:
.L_overlay_start_2:
0x89: {  	(tag) =	ssettag $0x2  }
0x8a: {  	s0 =	rddreg [dreg:$0x0];
	s2 =	stileid.u32  }
0x8b: {  	s1 =	rddreg [dreg:$0x1];
	p0 =	sne.s32 s2, $0x0  }
0x8c: {  	s3 =	rddreg [dreg:$0x2];
	[bflag:$0x3] =	sbarrier.arrive $0xFFFF;
	s2 =	simm.s32 @!p0 $0x1C02  }
0x8d: {  	[timem:s3], [sflag:s2] =	dma.local @!p0 [hbm:s0], s1  }
0x8e: {  	s0 =	simm.s32 @!p0 $0x2  }
0x8f: {  	_ =	swait.ge @!p0 [sflag:s0], s1  }
0x90: {  	s1 =	ssub.s32 @!p0 $0x0, s1;
	[sflag:s0] =	ssyncset.done @!p0 $0x0  }
0x91: {  	[sflag:s0] =	ssyncadd.s32 @!p0 s1  }
0x92: {  	[bflag:$0x3] =	sbarrier.arrive $0xFFFF  }
0x93: {  	_ =	shalt  }

</sc_bundles>
